<compile_context>
chip_gen: v7x
topology: tpu7x:2x2x1
jax: 0.10.2.dev20260603
libtpu: 0.0.44.dev20260713+nightly
codegen_flags: <defaults>
</compile_context>

<pallas_src>
import functools

import jax
import jax.numpy as jnp
from jax import lax
from jax.experimental import pallas as pl
from jax.experimental.pallas import tpu as pltpu
from jax.experimental.pallas import tpu_sc as plsc

_PACK = 4
_TCH = 8
_BCH = 128


def _sc_gather(table, idx_flat, nch, ch):
    n_total = idx_flat.shape[0]
    d = table.shape[1]
    n_per_w = nch * ch
    w_words = n_per_w * d
    mesh = plsc.VectorSubcoreMesh(core_axis_name="c", subcore_axis_name="s")
    info = plsc.get_sparse_core_info()
    nc = info.num_cores

    @functools.partial(
        pl.kernel,
        mesh=mesh,
        out_type=jax.ShapeDtypeStruct((n_total * d,), jnp.float32),
        scratch_types=[
            pltpu.VMEM((n_per_w,), jnp.int32),
            pltpu.VMEM((n_per_w, d), jnp.float32),
            pltpu.VMEM((w_words,), jnp.float32),
            pltpu.SemaphoreType.DMA,
        ],
        compiler_params=pltpu.CompilerParams(use_tc_tiling_on_sc=False),
    )
    def k(table_hbm, idx_hbm, out_hbm, idx_v, rows_v, flat_v, sem):
        wid = lax.axis_index("s") * nc + lax.axis_index("c")
        base = wid * n_per_w
        pltpu.sync_copy(idx_hbm.at[pl.ds(base, n_per_w)], idx_v)
        cps = []
        for j in range(nch):
            cps.append(pltpu.async_copy(
                table_hbm.at[idx_v.at[pl.ds(j * ch, ch)]],
                rows_v.at[pl.ds(j * ch, ch)],
                sem,
            ))
        for c in cps:
            c.wait()

        nvec = d // 16

        def repack(g, _):
            row = g * 4
            woff = g * 4 * d
            for q in range(4):
                for h in range(nvec):
                    flat_v[pl.ds(woff + q * d + h * 16, 16)] = (
                        rows_v[row + q, pl.ds(h * 16, 16)]
                    )
            return 0

        lax.fori_loop(0, n_per_w // 4, repack, 0)
        pltpu.sync_copy(flat_v, out_hbm.at[pl.ds(wid * w_words, w_words)])

    return k(table, idx_flat)


def _attn_body(emb_ref, pos_ref, wk_ref, wq_ref, wv_ref, mask_ref, out_ref,
               *, scale, tp, d):
    e4 = emb_ref[...] + pos_ref[...]
    rp = e4.shape[0]
    e = jnp.concatenate(
        [lax.slice(e4, (0, j * d), (rp, (j + 1) * d)) for j in range(_PACK)],
        axis=0,
    )
    bb = e.shape[0] // tp
    e3 = e.reshape(bb, tp, d)
    q3 = lax.dot_general(e3, wq_ref[...], (((2,), (0,)), ((), ())),
                         preferred_element_type=jnp.float32)
    k3 = lax.dot_general(e3, wk_ref[...], (((2,), (0,)), ((), ())),
                         preferred_element_type=jnp.float32)
    v3 = lax.dot_general(e3, wv_ref[...], (((2,), (0,)), ((), ())),
                         preferred_element_type=jnp.float32)
    wei = lax.dot_general(q3, k3, (((2,), (2,)), ((0,), (0,))),
                          preferred_element_type=jnp.float32)
    wei = wei * scale + mask_ref[...][None, :, :]
    m = jnp.max(wei, axis=2, keepdims=True)
    p = jnp.exp(wei - m)
    s = jnp.sum(p, axis=2, keepdims=True)
    o3 = lax.dot_general(p, v3, (((2,), (1,)), ((0,), (0,))),
                         preferred_element_type=jnp.float32) / s
    nb4blk = bb // _PACK
    halves = []
    for rq in range(nb4blk):
        halves.append(jnp.concatenate(
            [o3[nb4blk * j + rq] for j in range(_PACK)],
            axis=1,
        ))
    out_ref[...] = jnp.concatenate(halves, axis=0)


def _tc_attn(emb_packed, pos_packed, Wk, Wq, Wv, mask_add, bb, tp, n_batch):
    D = Wk.shape[0]
    R = bb * tp
    RP = R // _PACK
    grid = n_batch // bb
    scale = float(D) ** -0.5
    return pl.pallas_call(
        functools.partial(_attn_body, scale=scale, tp=tp, d=D),
        grid=(grid,),
        in_specs=[
            pl.BlockSpec((RP, _PACK * D), lambda i: (i, 0)),
            pl.BlockSpec((RP, _PACK * D), lambda i: (0, 0)),
            pl.BlockSpec((D, D), lambda i: (0, 0)),
            pl.BlockSpec((D, D), lambda i: (0, 0)),
            pl.BlockSpec((D, D), lambda i: (0, 0)),
            pl.BlockSpec((tp, tp), lambda i: (0, 0)),
        ],
        out_specs=pl.BlockSpec((bb // _PACK * tp, _PACK * D), lambda i: (i, 0)),
        out_shape=jax.ShapeDtypeStruct((n_batch // _PACK * tp, _PACK * D),
                                       jnp.float32),
        compiler_params=pltpu.CompilerParams(
            dimension_semantics=("parallel",),
        ),
    )(emb_packed, pos_packed, Wk, Wq, Wv, mask_add)


def _proj_body(o_ref, wlt_ref, bl_ref, out_ref, *, d):
    nb4 = o_ref.shape[0]
    ots = []
    for tl in range(_TCH):
        o4 = o_ref[:, tl, :]
        ots.append(jnp.concatenate(
            [lax.slice(o4, (0, j * d), (nb4, (j + 1) * d))
             for j in range(_PACK)],
            axis=0,
        ))
    ot = jnp.concatenate(ots, axis=0)
    lg = lax.dot_general(wlt_ref[...], ot, (((1,), (1,)), ((), ())),
                         preferred_element_type=jnp.float32)
    nb = nb4 * _PACK
    for tl in range(_TCH):
        out_ref[tl] = (lax.slice(lg, (0, tl * nb), (lg.shape[0], (tl + 1) * nb))
                       + bl_ref[...])


def _tc_proj(o3d, WlT, bl_col, t_out, tp):
    V, D = WlT.shape
    nb4 = o3d.shape[0]
    n_batch = nb4 * _PACK
    nbc = _BCH // _PACK
    grid = (pl.cdiv(t_out, _TCH), n_batch // _BCH)
    return pl.pallas_call(
        functools.partial(_proj_body, d=D),
        grid=grid,
        in_specs=[
            pl.BlockSpec((nbc, _TCH, _PACK * D), lambda u, bc: (bc, u, 0)),
            pl.BlockSpec((V, D), lambda u, bc: (0, 0)),
            pl.BlockSpec((V, 1), lambda u, bc: (0, 0)),
        ],
        out_specs=pl.BlockSpec((_TCH, V, _BCH), lambda u, bc: (u, 0, bc)),
        out_shape=jax.ShapeDtypeStruct((t_out, V, n_batch), jnp.float32),
        compiler_params=pltpu.CompilerParams(
            dimension_semantics=("parallel", "parallel"),
        ),
    )(o3d, WlT, bl_col)


def kernel(x, tok_table, pos_table, Wk, Wq, Wv, Wl, bl):
    B, T = x.shape
    V, D = tok_table.shape
    TP = 56
    N = B * TP

    BB = 64
    R = BB * TP
    RP = R // _PACK

    info = plsc.get_sparse_core_info()
    NW = info.num_cores * info.num_subcores
    n_per_w = N // NW
    CH = 112
    NCH = n_per_w // CH
    x_pad = jnp.pad(x.astype(jnp.int32), ((0, 0), (0, TP - T))).reshape(N)
    m = jnp.arange(N, dtype=jnp.int32)
    gi, mm = m // R, m % R
    tau = (mm % _PACK) * RP + mm // _PACK
    lv, tt = tau // TP, tau % TP
    nb4blk = BB // _PACK
    b4 = nb4blk * gi + (lv % nb4blk)
    jslot = lv // nb4blk
    nbc = _BCH // _PACK
    breal = (b4 // nbc) * _BCH + jslot * nbc + (b4 % nbc)
    idx_perm = x_pad[breal * TP + tt]
    emb_flat = _sc_gather(tok_table, idx_perm, NCH, CH)
    emb_packed = emb_flat.reshape(N // _PACK, _PACK * D)

    pos_pad = jnp.pad(pos_table, ((0, TP - T), (0, 0)))
    pos_packed = jnp.tile(pos_pad[jnp.arange(RP) % TP], (1, _PACK))
    t = jnp.arange(TP)
    causal = (t[:, None] >= t[None, :]) & (t[None, :] < T)
    mask_add = jnp.where(causal, 0.0, -1e30).astype(jnp.float32)
    o2d = _tc_attn(emb_packed, pos_packed, Wk, Wq, Wv, mask_add, BB, TP, B)
    o3d = o2d.reshape(B // _PACK, TP, _PACK * D)

    out_tvb = _tc_proj(o3d, Wl.T, bl.reshape(V, 1), T, TP)
    return jnp.transpose(out_tvb, (2, 0, 1))

# --- scband reference (transcript-rebuilt; emitter-appended) ---
"""Pipeline reference for scband-simple-bigram-61254823575560 (READ-ONLY COPY).

The authoritative reference and input builder live on the scoring server;
editing this copy changes nothing except your own understanding.
"""

import jax, jax.numpy as jnp
import numpy as np

B, T, V, D = 1024, 50, 1000, 32

def setup_inputs(seed: int = 0) -> dict:
    key = jax.random.key(seed)
    ks = jax.random.split(key, 8)
    x = jax.random.randint(ks[0], (B, T), 0, V)
    tok_table = jax.random.normal(ks[1], (V, D), jnp.float32) * 0.02
    pos_table = jax.random.normal(ks[2], (T, D), jnp.float32) * 0.02
    Wk = jax.random.normal(ks[3], (D, D), jnp.float32) * (1.0 / np.sqrt(D))
    Wq = jax.random.normal(ks[4], (D, D), jnp.float32) * (1.0 / np.sqrt(D))
    Wv = jax.random.normal(ks[5], (D, D), jnp.float32) * (1.0 / np.sqrt(D))
    Wl = jax.random.normal(ks[6], (D, V), jnp.float32) * (1.0 / np.sqrt(D))
    bl = jnp.zeros((V,), jnp.float32)
    return {"x": x, "tok_table": tok_table, "pos_table": pos_table,
            "Wk": Wk, "Wq": Wq, "Wv": Wv, "Wl": Wl, "bl": bl}

def reference(x, tok_table, pos_table, Wk, Wq, Wv, Wl, bl):
    Bx, Tx = x.shape
    d = tok_table.shape[1]
    # token embedding lookup (gather) + positional embedding lookup
    emb = jnp.take(tok_table, x, axis=0) + jnp.take(pos_table, jnp.arange(Tx), axis=0)[None, :, :]
    # single self-attention head (causal), per nanoGPT-style Head(head_size=n_embed)
    k = emb @ Wk
    q = emb @ Wq
    v = emb @ Wv
    wei = jnp.einsum('btd,bsd->bts', q, k) * (d ** -0.5)
    mask = jnp.tril(jnp.ones((Tx, Tx), dtype=bool))
    wei = jnp.where(mask[None, :, :], wei, -jnp.inf)
    wei = jax.nn.softmax(wei, axis=-1)
    out = jnp.einsum('bts,bsd->btd', wei, v)
    # final projection to vocab logits
    logits = out @ Wl + bl
    return logits

if __name__ == "__main__":
    import jax
    _d = setup_inputs()
    print(jax.jit(kernel)(*tuple(_d.values())))

</pallas_src>

<mosaic_0001>
#map = affine_map<(d0, d1) -> (0, 0)>
#map1 = affine_map<(d0, d1) -> (0)>
module attributes {stable_mosaic.version = 14 : i64} {
  func.func @k(%arg0: i32, %arg1: i32, %arg2: memref<1000x32xf32, #tpu.memory_space<hbm>>, %arg3: memref<57344xi32, #tpu.memory_space<hbm>>, %arg4: memref<1835008xf32, #tpu.memory_space<hbm>>, %arg5: memref<1792xi32, #tpu.memory_space<vmem>>, %arg6: memref<1792x32xf32, #tpu.memory_space<vmem>>, %arg7: memref<57344xf32, #tpu.memory_space<vmem>>, %arg8: memref<!tpu.dma_semaphore, #tpu.memory_space<semaphore_mem>>) attributes {dimension_semantics = [#tpu.dimension_semantics<core_parallel>, #tpu.dimension_semantics<subcore_parallel>], iteration_bounds = array<i64: 2, 16>, scalar_prefetch = 0 : i64, scratch_operands = 4 : i64, tpu.core_type = #tpu.core_type<sc_vector_subcore>, window_params = [{transform_indices = #map}, {transform_indices = #map1}, {transform_indices = #map1}]} {
    %mul3A = arith.constant 2 : i32
    %mul3A_0 = arith.muli %arg1, %mul3A : i32
    %add3A = arith.addi %mul3A_0, %arg0 : i32
    %mul3A_1 = arith.constant 1792 : i32
    %mul3A_2 = arith.muli %add3A, %mul3A_1 : i32
    "tpu.region"() ({
      %run_scoped3A = tpu.sem_alloc : memref<!tpu.dma_semaphore, #tpu.memory_space<semaphore_mem>>
      %dma_start3A_265 = tpu.memref_slice %arg3[%mul3A_2] : memref<57344xi32, #tpu.memory_space<hbm>> -> memref<1792xi32, #tpu.memory_space<hbm>>
      %dma_start3A_266 = tpu.memref_slice %arg3[%mul3A_2] : memref<57344xi32, #tpu.memory_space<hbm>> -> memref<1792xi32, #tpu.memory_space<hbm>>
      tpu.enqueue_dma source(%dma_start3A_266 : memref<1792xi32, #tpu.memory_space<hbm>>) target(%arg5 : memref<1792xi32, #tpu.memory_space<vmem>>) target_semaphore(%run_scoped3A : memref<!tpu.dma_semaphore, #tpu.memory_space<semaphore_mem>>)
      %dma_wait3A_267 = tpu.memref_slice %arg3[%mul3A_2] : memref<57344xi32, #tpu.memory_space<hbm>> -> memref<1792xi32, #tpu.memory_space<hbm>>
      %dma_wait3A_268 = tpu.memref_slice %arg3[%mul3A_2] : memref<57344xi32, #tpu.memory_space<hbm>> -> memref<1792xi32, #tpu.memory_space<hbm>>
      tpu.wait_dma2 semaphore(%run_scoped3A : memref<!tpu.dma_semaphore, #tpu.memory_space<semaphore_mem>>) src(%dma_wait3A_268 : memref<1792xi32, #tpu.memory_space<hbm>>) dst(%arg5 : memref<1792xi32, #tpu.memory_space<vmem>>)
      tpu.yield
    }) : () -> ()
    %dma_start3A = arith.constant 0 : i32
    %dma_start3A_3 = arith.constant 0 : i32
    %dma_start3A_4 = tpu.memref_slice %arg6[%dma_start3A, %dma_start3A_3] : memref<1792x32xf32, #tpu.memory_space<vmem>> -> memref<112x32xf32, #tpu.memory_space<vmem>>
    %dma_start3A_5 = arith.constant 0 : i32
    %dma_start3A_6 = tpu.memref_slice %arg5[%dma_start3A_5] : memref<1792xi32, #tpu.memory_space<vmem>> -> memref<112xi32, #tpu.memory_space<vmem>>
    %dma_start3A_7 = arith.constant 0 : i32
    %dma_start3A_8 = arith.constant 0 : i32
    %dma_start3A_9 = tpu.memref_slice %arg2[%dma_start3A_7, %dma_start3A_8] : memref<1000x32xf32, #tpu.memory_space<hbm>> -> memref<1000x32xf32, #tpu.memory_space<hbm>>
    tpu.enqueue_indirect_dma source(%dma_start3A_9 : memref<1000x32xf32, #tpu.memory_space<hbm>>) target(%dma_start3A_4 : memref<112x32xf32, #tpu.memory_space<vmem>>) offsets(%dma_start3A_6 : memref<112xi32, #tpu.memory_space<vmem>>) semaphore(%arg8 : memref<!tpu.dma_semaphore, #tpu.memory_space<semaphore_mem>>)
    %dma_start3A_10 = arith.constant 112 : i32
    %dma_start3A_11 = arith.constant 0 : i32
    %dma_start3A_12 = tpu.memref_slice %arg6[%dma_start3A_10, %dma_start3A_11] : memref<1792x32xf32, #tpu.memory_space<vmem>> -> memref<112x32xf32, #tpu.memory_space<vmem>>
    %dma_start3A_13 = arith.constant 112 : i32
    %dma_start3A_14 = tpu.memref_slice %arg5[%dma_start3A_13] : memref<1792xi32, #tpu.memory_space<vmem>> -> memref<112xi32, #tpu.memory_space<vmem>>
    %dma_start3A_15 = arith.constant 0 : i32
    %dma_start3A_16 = arith.constant 0 : i32
    %dma_start3A_17 = tpu.memref_slice %arg2[%dma_start3A_15, %dma_start3A_16] : memref<1000x32xf32, #tpu.memory_space<hbm>> -> memref<1000x32xf32, #tpu.memory_space<hbm>>
    tpu.enqueue_indirect_dma source(%dma_start3A_17 : memref<1000x32xf32, #tpu.memory_space<hbm>>) target(%dma_start3A_12 : memref<112x32xf32, #tpu.memory_space<vmem>>) offsets(%dma_start3A_14 : memref<112xi32, #tpu.memory_space<vmem>>) semaphore(%arg8 : memref<!tpu.dma_semaphore, #tpu.memory_space<semaphore_mem>>)
    %dma_start3A_18 = arith.constant 224 : i32
    %dma_start3A_19 = arith.constant 0 : i32
    %dma_start3A_20 = tpu.memref_slice %arg6[%dma_start3A_18, %dma_start3A_19] : memref<1792x32xf32, #tpu.memory_space<vmem>> -> memref<112x32xf32, #tpu.memory_space<vmem>>
    %dma_start3A_21 = arith.constant 224 : i32
    %dma_start3A_22 = tpu.memref_slice %arg5[%dma_start3A_21] : memref<1792xi32, #tpu.memory_space<vmem>> -> memref<112xi32, #tpu.memory_space<vmem>>
    %dma_start3A_23 = arith.constant 0 : i32
    %dma_start3A_24 = arith.constant 0 : i32
    %dma_start3A_25 = tpu.memref_slice %arg2[%dma_start3A_23, %dma_start3A_24] : memref<1000x32xf32, #tpu.memory_space<hbm>> -> memref<1000x32xf32, #tpu.memory_space<hbm>>
    tpu.enqueue_indirect_dma source(%dma_start3A_25 : memref<1000x32xf32, #tpu.memory_space<hbm>>) target(%dma_start3A_20 : memref<112x32xf32, #tpu.memory_space<vmem>>) offsets(%dma_start3A_22 : memref<112xi32, #tpu.memory_space<vmem>>) semaphore(%arg8 : memref<!tpu.dma_semaphore, #tpu.memory_space<semaphore_mem>>)
    %dma_start3A_26 = arith.constant 336 : i32
    %dma_start3A_27 = arith.constant 0 : i32
    %dma_start3A_28 = tpu.memref_slice %arg6[%dma_start3A_26, %dma_start3A_27] : memref<1792x32xf32, #tpu.memory_space<vmem>> -> memref<112x32xf32, #tpu.memory_space<vmem>>
    %dma_start3A_29 = arith.constant 336 : i32
    %dma_start3A_30 = tpu.memref_slice %arg5[%dma_start3A_29] : memref<1792xi32, #tpu.memory_space<vmem>> -> memref<112xi32, #tpu.memory_space<vmem>>
    %dma_start3A_31 = arith.constant 0 : i32
    %dma_start3A_32 = arith.constant 0 : i32
    %dma_start3A_33 = tpu.memref_slice %arg2[%dma_start3A_31, %dma_start3A_32] : memref<1000x32xf32, #tpu.memory_space<hbm>> -> memref<1000x32xf32, #tpu.memory_space<hbm>>
    tpu.enqueue_indirect_dma source(%dma_start3A_33 : memref<1000x32xf32, #tpu.memory_space<hbm>>) target(%dma_start3A_28 : memref<112x32xf32, #tpu.memory_space<vmem>>) offsets(%dma_start3A_30 : memref<112xi32, #tpu.memory_space<vmem>>) semaphore(%arg8 : memref<!tpu.dma_semaphore, #tpu.memory_space<semaphore_mem>>)
    %dma_start3A_34 = arith.constant 448 : i32
    %dma_start3A_35 = arith.constant 0 : i32
    %dma_start3A_36 = tpu.memref_slice %arg6[%dma_start3A_34, %dma_start3A_35] : memref<1792x32xf32, #tpu.memory_space<vmem>> -> memref<112x32xf32, #tpu.memory_space<vmem>>
    %dma_start3A_37 = arith.constant 448 : i32
    %dma_start3A_38 = tpu.memref_slice %arg5[%dma_start3A_37] : memref<1792xi32, #tpu.memory_space<vmem>> -> memref<112xi32, #tpu.memory_space<vmem>>
    %dma_start3A_39 = arith.constant 0 : i32
    %dma_start3A_40 = arith.constant 0 : i32
    %dma_start3A_41 = tpu.memref_slice %arg2[%dma_start3A_39, %dma_start3A_40] : memref<1000x32xf32, #tpu.memory_space<hbm>> -> memref<1000x32xf32, #tpu.memory_space<hbm>>
    tpu.enqueue_indirect_dma source(%dma_start3A_41 : memref<1000x32xf32, #tpu.memory_space<hbm>>) target(%dma_start3A_36 : memref<112x32xf32, #tpu.memory_space<vmem>>) offsets(%dma_start3A_38 : memref<112xi32, #tpu.memory_space<vmem>>) semaphore(%arg8 : memref<!tpu.dma_semaphore, #tpu.memory_space<semaphore_mem>>)
    %dma_start3A_42 = arith.constant 560 : i32
    %dma_start3A_43 = arith.constant 0 : i32
    %dma_start3A_44 = tpu.memref_slice %arg6[%dma_start3A_42, %dma_start3A_43] : memref<1792x32xf32, #tpu.memory_space<vmem>> -> memref<112x32xf32, #tpu.memory_space<vmem>>
    %dma_start3A_45 = arith.constant 560 : i32
    %dma_start3A_46 = tpu.memref_slice %arg5[%dma_start3A_45] : memref<1792xi32, #tpu.memory_space<vmem>> -> memref<112xi32, #tpu.memory_space<vmem>>
    %dma_start3A_47 = arith.constant 0 : i32
    %dma_start3A_48 = arith.constant 0 : i32
    %dma_start3A_49 = tpu.memref_slice %arg2[%dma_start3A_47, %dma_start3A_48] : memref<1000x32xf32, #tpu.memory_space<hbm>> -> memref<1000x32xf32, #tpu.memory_space<hbm>>
    tpu.enqueue_indirect_dma source(%dma_start3A_49 : memref<1000x32xf32, #tpu.memory_space<hbm>>) target(%dma_start3A_44 : memref<112x32xf32, #tpu.memory_space<vmem>>) offsets(%dma_start3A_46 : memref<112xi32, #tpu.memory_space<vmem>>) semaphore(%arg8 : memref<!tpu.dma_semaphore, #tpu.memory_space<semaphore_mem>>)
    %dma_start3A_50 = arith.constant 672 : i32
    %dma_start3A_51 = arith.constant 0 : i32
    %dma_start3A_52 = tpu.memref_slice %arg6[%dma_start3A_50, %dma_start3A_51] : memref<1792x32xf32, #tpu.memory_space<vmem>> -> memref<112x32xf32, #tpu.memory_space<vmem>>
    %dma_start3A_53 = arith.constant 672 : i32
    %dma_start3A_54 = tpu.memref_slice %arg5[%dma_start3A_53] : memref<1792xi32, #tpu.memory_space<vmem>> -> memref<112xi32, #tpu.memory_space<vmem>>
    %dma_start3A_55 = arith.constant 0 : i32
    %dma_start3A_56 = arith.constant 0 : i32
    %dma_start3A_57 = tpu.memref_slice %arg2[%dma_start3A_55, %dma_start3A_56] : memref<1000x32xf32, #tpu.memory_space<hbm>> -> memref<1000x32xf32, #tpu.memory_space<hbm>>
    tpu.enqueue_indirect_dma source(%dma_start3A_57 : memref<1000x32xf32, #tpu.memory_space<hbm>>) target(%dma_start3A_52 : memref<112x32xf32, #tpu.memory_space<vmem>>) offsets(%dma_start3A_54 : memref<112xi32, #tpu.memory_space<vmem>>) semaphore(%arg8 : memref<!tpu.dma_semaphore, #tpu.memory_space<semaphore_mem>>)
    %dma_start3A_58 = arith.constant 784 : i32
    %dma_start3A_59 = arith.constant 0 : i32
    %dma_start3A_60 = tpu.memref_slice %arg6[%dma_start3A_58, %dma_start3A_59] : memref<1792x32xf32, #tpu.memory_space<vmem>> -> memref<112x32xf32, #tpu.memory_space<vmem>>
    %dma_start3A_61 = arith.constant 784 : i32
    %dma_start3A_62 = tpu.memref_slice %arg5[%dma_start3A_61] : memref<1792xi32, #tpu.memory_space<vmem>> -> memref<112xi32, #tpu.memory_space<vmem>>
    %dma_start3A_63 = arith.constant 0 : i32
    %dma_start3A_64 = arith.constant 0 : i32
    %dma_start3A_65 = tpu.memref_slice %arg2[%dma_start3A_63, %dma_start3A_64] : memref<1000x32xf32, #tpu.memory_space<hbm>> -> memref<1000x32xf32, #tpu.memory_space<hbm>>
    tpu.enqueue_indirect_dma source(%dma_start3A_65 : memref<1000x32xf32, #tpu.memory_space<hbm>>) target(%dma_start3A_60 : memref<112x32xf32, #tpu.memory_space<vmem>>) offsets(%dma_start3A_62 : memref<112xi32, #tpu.memory_space<vmem>>) semaphore(%arg8 : memref<!tpu.dma_semaphore, #tpu.memory_space<semaphore_mem>>)
    %dma_start3A_66 = arith.constant 896 : i32
    %dma_start3A_67 = arith.constant 0 : i32
    %dma_start3A_68 = tpu.memref_slice %arg6[%dma_start3A_66, %dma_start3A_67] : memref<1792x32xf32, #tpu.memory_space<vmem>> -> memref<112x32xf32, #tpu.memory_space<vmem>>
    %dma_start3A_69 = arith.constant 896 : i32
    %dma_start3A_70 = tpu.memref_slice %arg5[%dma_start3A_69] : memref<1792xi32, #tpu.memory_space<vmem>> -> memref<112xi32, #tpu.memory_space<vmem>>
    %dma_start3A_71 = arith.constant 0 : i32
    %dma_start3A_72 = arith.constant 0 : i32
    %dma_start3A_73 = tpu.memref_slice %arg2[%dma_start3A_71, %dma_start3A_72] : memref<1000x32xf32, #tpu.memory_space<hbm>> -> memref<1000x32xf32, #tpu.memory_space<hbm>>
    tpu.enqueue_indirect_dma source(%dma_start3A_73 : memref<1000x32xf32, #tpu.memory_space<hbm>>) target(%dma_start3A_68 : memref<112x32xf32, #tpu.memory_space<vmem>>) offsets(%dma_start3A_70 : memref<112xi32, #tpu.memory_space<vmem>>) semaphore(%arg8 : memref<!tpu.dma_semaphore, #tpu.memory_space<semaphore_mem>>)
    %dma_start3A_74 = arith.constant 1008 : i32
    %dma_start3A_75 = arith.constant 0 : i32
    %dma_start3A_76 = tpu.memref_slice %arg6[%dma_start3A_74, %dma_start3A_75] : memref<1792x32xf32, #tpu.memory_space<vmem>> -> memref<112x32xf32, #tpu.memory_space<vmem>>
    %dma_start3A_77 = arith.constant 1008 : i32
    %dma_start3A_78 = tpu.memref_slice %arg5[%dma_start3A_77] : memref<1792xi32, #tpu.memory_space<vmem>> -> memref<112xi32, #tpu.memory_space<vmem>>
    %dma_start3A_79 = arith.constant 0 : i32
    %dma_start3A_80 = arith.constant 0 : i32
    %dma_start3A_81 = tpu.memref_slice %arg2[%dma_start3A_79, %dma_start3A_80] : memref<1000x32xf32, #tpu.memory_space<hbm>> -> memref<1000x32xf32, #tpu.memory_space<hbm>>
    tpu.enqueue_indirect_dma source(%dma_start3A_81 : memref<1000x32xf32, #tpu.memory_space<hbm>>) target(%dma_start3A_76 : memref<112x32xf32, #tpu.memory_space<vmem>>) offsets(%dma_start3A_78 : memref<112xi32, #tpu.memory_space<vmem>>) semaphore(%arg8 : memref<!tpu.dma_semaphore, #tpu.memory_space<semaphore_mem>>)
    %dma_start3A_82 = arith.constant 1120 : i32
    %dma_start3A_83 = arith.constant 0 : i32
    %dma_start3A_84 = tpu.memref_slice %arg6[%dma_start3A_82, %dma_start3A_83] : memref<1792x32xf32, #tpu.memory_space<vmem>> -> memref<112x32xf32, #tpu.memory_space<vmem>>
    %dma_start3A_85 = arith.constant 1120 : i32
    %dma_start3A_86 = tpu.memref_slice %arg5[%dma_start3A_85] : memref<1792xi32, #tpu.memory_space<vmem>> -> memref<112xi32, #tpu.memory_space<vmem>>
    %dma_start3A_87 = arith.constant 0 : i32
    %dma_start3A_88 = arith.constant 0 : i32
    %dma_start3A_89 = tpu.memref_slice %arg2[%dma_start3A_87, %dma_start3A_88] : memref<1000x32xf32, #tpu.memory_space<hbm>> -> memref<1000x32xf32, #tpu.memory_space<hbm>>
    tpu.enqueue_indirect_dma source(%dma_start3A_89 : memref<1000x32xf32, #tpu.memory_space<hbm>>) target(%dma_start3A_84 : memref<112x32xf32, #tpu.memory_space<vmem>>) offsets(%dma_start3A_86 : memref<112xi32, #tpu.memory_space<vmem>>) semaphore(%arg8 : memref<!tpu.dma_semaphore, #tpu.memory_space<semaphore_mem>>)
    %dma_start3A_90 = arith.constant 1232 : i32
    %dma_start3A_91 = arith.constant 0 : i32
    %dma_start3A_92 = tpu.memref_slice %arg6[%dma_start3A_90, %dma_start3A_91] : memref<1792x32xf32, #tpu.memory_space<vmem>> -> memref<112x32xf32, #tpu.memory_space<vmem>>
    %dma_start3A_93 = arith.constant 1232 : i32
    %dma_start3A_94 = tpu.memref_slice %arg5[%dma_start3A_93] : memref<1792xi32, #tpu.memory_space<vmem>> -> memref<112xi32, #tpu.memory_space<vmem>>
    %dma_start3A_95 = arith.constant 0 : i32
    %dma_start3A_96 = arith.constant 0 : i32
    %dma_start3A_97 = tpu.memref_slice %arg2[%dma_start3A_95, %dma_start3A_96] : memref<1000x32xf32, #tpu.memory_space<hbm>> -> memref<1000x32xf32, #tpu.memory_space<hbm>>
    tpu.enqueue_indirect_dma source(%dma_start3A_97 : memref<1000x32xf32, #tpu.memory_space<hbm>>) target(%dma_start3A_92 : memref<112x32xf32, #tpu.memory_space<vmem>>) offsets(%dma_start3A_94 : memref<112xi32, #tpu.memory_space<vmem>>) semaphore(%arg8 : memref<!tpu.dma_semaphore, #tpu.memory_space<semaphore_mem>>)
    %dma_start3A_98 = arith.constant 1344 : i32
    %dma_start3A_99 = arith.constant 0 : i32
    %dma_start3A_100 = tpu.memref_slice %arg6[%dma_start3A_98, %dma_start3A_99] : memref<1792x32xf32, #tpu.memory_space<vmem>> -> memref<112x32xf32, #tpu.memory_space<vmem>>
    %dma_start3A_101 = arith.constant 1344 : i32
    %dma_start3A_102 = tpu.memref_slice %arg5[%dma_start3A_101] : memref<1792xi32, #tpu.memory_space<vmem>> -> memref<112xi32, #tpu.memory_space<vmem>>
    %dma_start3A_103 = arith.constant 0 : i32
    %dma_start3A_104 = arith.constant 0 : i32
    %dma_start3A_105 = tpu.memref_slice %arg2[%dma_start3A_103, %dma_start3A_104] : memref<1000x32xf32, #tpu.memory_space<hbm>> -> memref<1000x32xf32, #tpu.memory_space<hbm>>
    tpu.enqueue_indirect_dma source(%dma_start3A_105 : memref<1000x32xf32, #tpu.memory_space<hbm>>) target(%dma_start3A_100 : memref<112x32xf32, #tpu.memory_space<vmem>>) offsets(%dma_start3A_102 : memref<112xi32, #tpu.memory_space<vmem>>) semaphore(%arg8 : memref<!tpu.dma_semaphore, #tpu.memory_space<semaphore_mem>>)
    %dma_start3A_106 = arith.constant 1456 : i32
    %dma_start3A_107 = arith.constant 0 : i32
    %dma_start3A_108 = tpu.memref_slice %arg6[%dma_start3A_106, %dma_start3A_107] : memref<1792x32xf32, #tpu.memory_space<vmem>> -> memref<112x32xf32, #tpu.memory_space<vmem>>
    %dma_start3A_109 = arith.constant 1456 : i32
    %dma_start3A_110 = tpu.memref_slice %arg5[%dma_start3A_109] : memref<1792xi32, #tpu.memory_space<vmem>> -> memref<112xi32, #tpu.memory_space<vmem>>
    %dma_start3A_111 = arith.constant 0 : i32
    %dma_start3A_112 = arith.constant 0 : i32
    %dma_start3A_113 = tpu.memref_slice %arg2[%dma_start3A_111, %dma_start3A_112] : memref<1000x32xf32, #tpu.memory_space<hbm>> -> memref<1000x32xf32, #tpu.memory_space<hbm>>
    tpu.enqueue_indirect_dma source(%dma_start3A_113 : memref<1000x32xf32, #tpu.memory_space<hbm>>) target(%dma_start3A_108 : memref<112x32xf32, #tpu.memory_space<vmem>>) offsets(%dma_start3A_110 : memref<112xi32, #tpu.memory_space<vmem>>) semaphore(%arg8 : memref<!tpu.dma_semaphore, #tpu.memory_space<semaphore_mem>>)
    %dma_start3A_114 = arith.constant 1568 : i32
    %dma_start3A_115 = arith.constant 0 : i32
    %dma_start3A_116 = tpu.memref_slice %arg6[%dma_start3A_114, %dma_start3A_115] : memref<1792x32xf32, #tpu.memory_space<vmem>> -> memref<112x32xf32, #tpu.memory_space<vmem>>
    %dma_start3A_117 = arith.constant 1568 : i32
    %dma_start3A_118 = tpu.memref_slice %arg5[%dma_start3A_117] : memref<1792xi32, #tpu.memory_space<vmem>> -> memref<112xi32, #tpu.memory_space<vmem>>
    %dma_start3A_119 = arith.constant 0 : i32
    %dma_start3A_120 = arith.constant 0 : i32
    %dma_start3A_121 = tpu.memref_slice %arg2[%dma_start3A_119, %dma_start3A_120] : memref<1000x32xf32, #tpu.memory_space<hbm>> -> memref<1000x32xf32, #tpu.memory_space<hbm>>
    tpu.enqueue_indirect_dma source(%dma_start3A_121 : memref<1000x32xf32, #tpu.memory_space<hbm>>) target(%dma_start3A_116 : memref<112x32xf32, #tpu.memory_space<vmem>>) offsets(%dma_start3A_118 : memref<112xi32, #tpu.memory_space<vmem>>) semaphore(%arg8 : memref<!tpu.dma_semaphore, #tpu.memory_space<semaphore_mem>>)
    %dma_start3A_122 = arith.constant 1680 : i32
    %dma_start3A_123 = arith.constant 0 : i32
    %dma_start3A_124 = tpu.memref_slice %arg6[%dma_start3A_122, %dma_start3A_123] : memref<1792x32xf32, #tpu.memory_space<vmem>> -> memref<112x32xf32, #tpu.memory_space<vmem>>
    %dma_start3A_125 = arith.constant 1680 : i32
    %dma_start3A_126 = tpu.memref_slice %arg5[%dma_start3A_125] : memref<1792xi32, #tpu.memory_space<vmem>> -> memref<112xi32, #tpu.memory_space<vmem>>
    %dma_start3A_127 = arith.constant 0 : i32
    %dma_start3A_128 = arith.constant 0 : i32
    %dma_start3A_129 = tpu.memref_slice %arg2[%dma_start3A_127, %dma_start3A_128] : memref<1000x32xf32, #tpu.memory_space<hbm>> -> memref<1000x32xf32, #tpu.memory_space<hbm>>
    tpu.enqueue_indirect_dma source(%dma_start3A_129 : memref<1000x32xf32, #tpu.memory_space<hbm>>) target(%dma_start3A_124 : memref<112x32xf32, #tpu.memory_space<vmem>>) offsets(%dma_start3A_126 : memref<112xi32, #tpu.memory_space<vmem>>) semaphore(%arg8 : memref<!tpu.dma_semaphore, #tpu.memory_space<semaphore_mem>>)
    %dma_wait3A = arith.constant 0 : i32
    %dma_wait3A_130 = arith.constant 0 : i32
    %dma_wait3A_131 = tpu.memref_slice %arg6[%dma_wait3A, %dma_wait3A_130] : memref<1792x32xf32, #tpu.memory_space<vmem>> -> memref<112x32xf32, #tpu.memory_space<vmem>>
    %dma_wait3A_132 = arith.constant 0 : i32
    %dma_wait3A_133 = tpu.memref_slice %arg5[%dma_wait3A_132] : memref<1792xi32, #tpu.memory_space<vmem>> -> memref<112xi32, #tpu.memory_space<vmem>>
    %dma_wait3A_134 = arith.constant 0 : i32
    %dma_wait3A_135 = arith.constant 0 : i32
    %dma_wait3A_136 = tpu.memref_slice %arg2[%dma_wait3A_134, %dma_wait3A_135] : memref<1000x32xf32, #tpu.memory_space<hbm>> -> memref<1000x32xf32, #tpu.memory_space<hbm>>
    tpu.wait_indirect_dma semaphore(%arg8 : memref<!tpu.dma_semaphore, #tpu.memory_space<semaphore_mem>>) src(%dma_wait3A_136 : memref<1000x32xf32, #tpu.memory_space<hbm>>) dst(%dma_wait3A_131 : memref<112x32xf32, #tpu.memory_space<vmem>>)
    %dma_wait3A_137 = arith.constant 112 : i32
    %dma_wait3A_138 = arith.constant 0 : i32
    %dma_wait3A_139 = tpu.memref_slice %arg6[%dma_wait3A_137, %dma_wait3A_138] : memref<1792x32xf32, #tpu.memory_space<vmem>> -> memref<112x32xf32, #tpu.memory_space<vmem>>
    %dma_wait3A_140 = arith.constant 112 : i32
    %dma_wait3A_141 = tpu.memref_slice %arg5[%dma_wait3A_140] : memref<1792xi32, #tpu.memory_space<vmem>> -> memref<112xi32, #tpu.memory_space<vmem>>
    %dma_wait3A_142 = arith.constant 0 : i32
    %dma_wait3A_143 = arith.constant 0 : i32
    %dma_wait3A_144 = tpu.memref_slice %arg2[%dma_wait3A_142, %dma_wait3A_143] : memref<1000x32xf32, #tpu.memory_space<hbm>> -> memref<1000x32xf32, #tpu.memory_space<hbm>>
    tpu.wait_indirect_dma semaphore(%arg8 : memref<!tpu.dma_semaphore, #tpu.memory_space<semaphore_mem>>) src(%dma_wait3A_144 : memref<1000x32xf32, #tpu.memory_space<hbm>>) dst(%dma_wait3A_139 : memref<112x32xf32, #tpu.memory_space<vmem>>)
    %dma_wait3A_145 = arith.constant 224 : i32
    %dma_wait3A_146 = arith.constant 0 : i32
    %dma_wait3A_147 = tpu.memref_slice %arg6[%dma_wait3A_145, %dma_wait3A_146] : memref<1792x32xf32, #tpu.memory_space<vmem>> -> memref<112x32xf32, #tpu.memory_space<vmem>>
    %dma_wait3A_148 = arith.constant 224 : i32
    %dma_wait3A_149 = tpu.memref_slice %arg5[%dma_wait3A_148] : memref<1792xi32, #tpu.memory_space<vmem>> -> memref<112xi32, #tpu.memory_space<vmem>>
    %dma_wait3A_150 = arith.constant 0 : i32
    %dma_wait3A_151 = arith.constant 0 : i32
    %dma_wait3A_152 = tpu.memref_slice %arg2[%dma_wait3A_150, %dma_wait3A_151] : memref<1000x32xf32, #tpu.memory_space<hbm>> -> memref<1000x32xf32, #tpu.memory_space<hbm>>
    tpu.wait_indirect_dma semaphore(%arg8 : memref<!tpu.dma_semaphore, #tpu.memory_space<semaphore_mem>>) src(%dma_wait3A_152 : memref<1000x32xf32, #tpu.memory_space<hbm>>) dst(%dma_wait3A_147 : memref<112x32xf32, #tpu.memory_space<vmem>>)
    %dma_wait3A_153 = arith.constant 336 : i32
    %dma_wait3A_154 = arith.constant 0 : i32
    %dma_wait3A_155 = tpu.memref_slice %arg6[%dma_wait3A_153, %dma_wait3A_154] : memref<1792x32xf32, #tpu.memory_space<vmem>> -> memref<112x32xf32, #tpu.memory_space<vmem>>
    %dma_wait3A_156 = arith.constant 336 : i32
    %dma_wait3A_157 = tpu.memref_slice %arg5[%dma_wait3A_156] : memref<1792xi32, #tpu.memory_space<vmem>> -> memref<112xi32, #tpu.memory_space<vmem>>
    %dma_wait3A_158 = arith.constant 0 : i32
    %dma_wait3A_159 = arith.constant 0 : i32
    %dma_wait3A_160 = tpu.memref_slice %arg2[%dma_wait3A_158, %dma_wait3A_159] : memref<1000x32xf32, #tpu.memory_space<hbm>> -> memref<1000x32xf32, #tpu.memory_space<hbm>>
    tpu.wait_indirect_dma semaphore(%arg8 : memref<!tpu.dma_semaphore, #tpu.memory_space<semaphore_mem>>) src(%dma_wait3A_160 : memref<1000x32xf32, #tpu.memory_space<hbm>>) dst(%dma_wait3A_155 : memref<112x32xf32, #tpu.memory_space<vmem>>)
    %dma_wait3A_161 = arith.constant 448 : i32
    %dma_wait3A_162 = arith.constant 0 : i32
    %dma_wait3A_163 = tpu.memref_slice %arg6[%dma_wait3A_161, %dma_wait3A_162] : memref<1792x32xf32, #tpu.memory_space<vmem>> -> memref<112x32xf32, #tpu.memory_space<vmem>>
    %dma_wait3A_164 = arith.constant 448 : i32
    %dma_wait3A_165 = tpu.memref_slice %arg5[%dma_wait3A_164] : memref<1792xi32, #tpu.memory_space<vmem>> -> memref<112xi32, #tpu.memory_space<vmem>>
    %dma_wait3A_166 = arith.constant 0 : i32
    %dma_wait3A_167 = arith.constant 0 : i32
    %dma_wait3A_168 = tpu.memref_slice %arg2[%dma_wait3A_166, %dma_wait3A_167] : memref<1000x32xf32, #tpu.memory_space<hbm>> -> memref<1000x32xf32, #tpu.memory_space<hbm>>
    tpu.wait_indirect_dma semaphore(%arg8 : memref<!tpu.dma_semaphore, #tpu.memory_space<semaphore_mem>>) src(%dma_wait3A_168 : memref<1000x32xf32, #tpu.memory_space<hbm>>) dst(%dma_wait3A_163 : memref<112x32xf32, #tpu.memory_space<vmem>>)
    %dma_wait3A_169 = arith.constant 560 : i32
    %dma_wait3A_170 = arith.constant 0 : i32
    %dma_wait3A_171 = tpu.memref_slice %arg6[%dma_wait3A_169, %dma_wait3A_170] : memref<1792x32xf32, #tpu.memory_space<vmem>> -> memref<112x32xf32, #tpu.memory_space<vmem>>
    %dma_wait3A_172 = arith.constant 560 : i32
    %dma_wait3A_173 = tpu.memref_slice %arg5[%dma_wait3A_172] : memref<1792xi32, #tpu.memory_space<vmem>> -> memref<112xi32, #tpu.memory_space<vmem>>
    %dma_wait3A_174 = arith.constant 0 : i32
    %dma_wait3A_175 = arith.constant 0 : i32
    %dma_wait3A_176 = tpu.memref_slice %arg2[%dma_wait3A_174, %dma_wait3A_175] : memref<1000x32xf32, #tpu.memory_space<hbm>> -> memref<1000x32xf32, #tpu.memory_space<hbm>>
    tpu.wait_indirect_dma semaphore(%arg8 : memref<!tpu.dma_semaphore, #tpu.memory_space<semaphore_mem>>) src(%dma_wait3A_176 : memref<1000x32xf32, #tpu.memory_space<hbm>>) dst(%dma_wait3A_171 : memref<112x32xf32, #tpu.memory_space<vmem>>)
    %dma_wait3A_177 = arith.constant 672 : i32
    %dma_wait3A_178 = arith.constant 0 : i32
    %dma_wait3A_179 = tpu.memref_slice %arg6[%dma_wait3A_177, %dma_wait3A_178] : memref<1792x32xf32, #tpu.memory_space<vmem>> -> memref<112x32xf32, #tpu.memory_space<vmem>>
    %dma_wait3A_180 = arith.constant 672 : i32
    %dma_wait3A_181 = tpu.memref_slice %arg5[%dma_wait3A_180] : memref<1792xi32, #tpu.memory_space<vmem>> -> memref<112xi32, #tpu.memory_space<vmem>>
    %dma_wait3A_182 = arith.constant 0 : i32
    %dma_wait3A_183 = arith.constant 0 : i32
    %dma_wait3A_184 = tpu.memref_slice %arg2[%dma_wait3A_182, %dma_wait3A_183] : memref<1000x32xf32, #tpu.memory_space<hbm>> -> memref<1000x32xf32, #tpu.memory_space<hbm>>
    tpu.wait_indirect_dma semaphore(%arg8 : memref<!tpu.dma_semaphore, #tpu.memory_space<semaphore_mem>>) src(%dma_wait3A_184 : memref<1000x32xf32, #tpu.memory_space<hbm>>) dst(%dma_wait3A_179 : memref<112x32xf32, #tpu.memory_space<vmem>>)
    %dma_wait3A_185 = arith.constant 784 : i32
    %dma_wait3A_186 = arith.constant 0 : i32
    %dma_wait3A_187 = tpu.memref_slice %arg6[%dma_wait3A_185, %dma_wait3A_186] : memref<1792x32xf32, #tpu.memory_space<vmem>> -> memref<112x32xf32, #tpu.memory_space<vmem>>
    %dma_wait3A_188 = arith.constant 784 : i32
    %dma_wait3A_189 = tpu.memref_slice %arg5[%dma_wait3A_188] : memref<1792xi32, #tpu.memory_space<vmem>> -> memref<112xi32, #tpu.memory_space<vmem>>
    %dma_wait3A_190 = arith.constant 0 : i32
    %dma_wait3A_191 = arith.constant 0 : i32
    %dma_wait3A_192 = tpu.memref_slice %arg2[%dma_wait3A_190, %dma_wait3A_191] : memref<1000x32xf32, #tpu.memory_space<hbm>> -> memref<1000x32xf32, #tpu.memory_space<hbm>>
    tpu.wait_indirect_dma semaphore(%arg8 : memref<!tpu.dma_semaphore, #tpu.memory_space<semaphore_mem>>) src(%dma_wait3A_192 : memref<1000x32xf32, #tpu.memory_space<hbm>>) dst(%dma_wait3A_187 : memref<112x32xf32, #tpu.memory_space<vmem>>)
    %dma_wait3A_193 = arith.constant 896 : i32
    %dma_wait3A_194 = arith.constant 0 : i32
    %dma_wait3A_195 = tpu.memref_slice %arg6[%dma_wait3A_193, %dma_wait3A_194] : memref<1792x32xf32, #tpu.memory_space<vmem>> -> memref<112x32xf32, #tpu.memory_space<vmem>>
    %dma_wait3A_196 = arith.constant 896 : i32
    %dma_wait3A_197 = tpu.memref_slice %arg5[%dma_wait3A_196] : memref<1792xi32, #tpu.memory_space<vmem>> -> memref<112xi32, #tpu.memory_space<vmem>>
    %dma_wait3A_198 = arith.constant 0 : i32
    %dma_wait3A_199 = arith.constant 0 : i32
    %dma_wait3A_200 = tpu.memref_slice %arg2[%dma_wait3A_198, %dma_wait3A_199] : memref<1000x32xf32, #tpu.memory_space<hbm>> -> memref<1000x32xf32, #tpu.memory_space<hbm>>
    tpu.wait_indirect_dma semaphore(%arg8 : memref<!tpu.dma_semaphore, #tpu.memory_space<semaphore_mem>>) src(%dma_wait3A_200 : memref<1000x32xf32, #tpu.memory_space<hbm>>) dst(%dma_wait3A_195 : memref<112x32xf32, #tpu.memory_space<vmem>>)
    %dma_wait3A_201 = arith.constant 1008 : i32
    %dma_wait3A_202 = arith.constant 0 : i32
    %dma_wait3A_203 = tpu.memref_slice %arg6[%dma_wait3A_201, %dma_wait3A_202] : memref<1792x32xf32, #tpu.memory_space<vmem>> -> memref<112x32xf32, #tpu.memory_space<vmem>>
    %dma_wait3A_204 = arith.constant 1008 : i32
    %dma_wait3A_205 = tpu.memref_slice %arg5[%dma_wait3A_204] : memref<1792xi32, #tpu.memory_space<vmem>> -> memref<112xi32, #tpu.memory_space<vmem>>
    %dma_wait3A_206 = arith.constant 0 : i32
    %dma_wait3A_207 = arith.constant 0 : i32
    %dma_wait3A_208 = tpu.memref_slice %arg2[%dma_wait3A_206, %dma_wait3A_207] : memref<1000x32xf32, #tpu.memory_space<hbm>> -> memref<1000x32xf32, #tpu.memory_space<hbm>>
    tpu.wait_indirect_dma semaphore(%arg8 : memref<!tpu.dma_semaphore, #tpu.memory_space<semaphore_mem>>) src(%dma_wait3A_208 : memref<1000x32xf32, #tpu.memory_space<hbm>>) dst(%dma_wait3A_203 : memref<112x32xf32, #tpu.memory_space<vmem>>)
    %dma_wait3A_209 = arith.constant 1120 : i32
    %dma_wait3A_210 = arith.constant 0 : i32
    %dma_wait3A_211 = tpu.memref_slice %arg6[%dma_wait3A_209, %dma_wait3A_210] : memref<1792x32xf32, #tpu.memory_space<vmem>> -> memref<112x32xf32, #tpu.memory_space<vmem>>
    %dma_wait3A_212 = arith.constant 1120 : i32
    %dma_wait3A_213 = tpu.memref_slice %arg5[%dma_wait3A_212] : memref<1792xi32, #tpu.memory_space<vmem>> -> memref<112xi32, #tpu.memory_space<vmem>>
    %dma_wait3A_214 = arith.constant 0 : i32
    %dma_wait3A_215 = arith.constant 0 : i32
    %dma_wait3A_216 = tpu.memref_slice %arg2[%dma_wait3A_214, %dma_wait3A_215] : memref<1000x32xf32, #tpu.memory_space<hbm>> -> memref<1000x32xf32, #tpu.memory_space<hbm>>
    tpu.wait_indirect_dma semaphore(%arg8 : memref<!tpu.dma_semaphore, #tpu.memory_space<semaphore_mem>>) src(%dma_wait3A_216 : memref<1000x32xf32, #tpu.memory_space<hbm>>) dst(%dma_wait3A_211 : memref<112x32xf32, #tpu.memory_space<vmem>>)
    %dma_wait3A_217 = arith.constant 1232 : i32
    %dma_wait3A_218 = arith.constant 0 : i32
    %dma_wait3A_219 = tpu.memref_slice %arg6[%dma_wait3A_217, %dma_wait3A_218] : memref<1792x32xf32, #tpu.memory_space<vmem>> -> memref<112x32xf32, #tpu.memory_space<vmem>>
    %dma_wait3A_220 = arith.constant 1232 : i32
    %dma_wait3A_221 = tpu.memref_slice %arg5[%dma_wait3A_220] : memref<1792xi32, #tpu.memory_space<vmem>> -> memref<112xi32, #tpu.memory_space<vmem>>
    %dma_wait3A_222 = arith.constant 0 : i32
    %dma_wait3A_223 = arith.constant 0 : i32
    %dma_wait3A_224 = tpu.memref_slice %arg2[%dma_wait3A_222, %dma_wait3A_223] : memref<1000x32xf32, #tpu.memory_space<hbm>> -> memref<1000x32xf32, #tpu.memory_space<hbm>>
    tpu.wait_indirect_dma semaphore(%arg8 : memref<!tpu.dma_semaphore, #tpu.memory_space<semaphore_mem>>) src(%dma_wait3A_224 : memref<1000x32xf32, #tpu.memory_space<hbm>>) dst(%dma_wait3A_219 : memref<112x32xf32, #tpu.memory_space<vmem>>)
    %dma_wait3A_225 = arith.constant 1344 : i32
    %dma_wait3A_226 = arith.constant 0 : i32
    %dma_wait3A_227 = tpu.memref_slice %arg6[%dma_wait3A_225, %dma_wait3A_226] : memref<1792x32xf32, #tpu.memory_space<vmem>> -> memref<112x32xf32, #tpu.memory_space<vmem>>
    %dma_wait3A_228 = arith.constant 1344 : i32
    %dma_wait3A_229 = tpu.memref_slice %arg5[%dma_wait3A_228] : memref<1792xi32, #tpu.memory_space<vmem>> -> memref<112xi32, #tpu.memory_space<vmem>>
    %dma_wait3A_230 = arith.constant 0 : i32
    %dma_wait3A_231 = arith.constant 0 : i32
    %dma_wait3A_232 = tpu.memref_slice %arg2[%dma_wait3A_230, %dma_wait3A_231] : memref<1000x32xf32, #tpu.memory_space<hbm>> -> memref<1000x32xf32, #tpu.memory_space<hbm>>
    tpu.wait_indirect_dma semaphore(%arg8 : memref<!tpu.dma_semaphore, #tpu.memory_space<semaphore_mem>>) src(%dma_wait3A_232 : memref<1000x32xf32, #tpu.memory_space<hbm>>) dst(%dma_wait3A_227 : memref<112x32xf32, #tpu.memory_space<vmem>>)
    %dma_wait3A_233 = arith.constant 1456 : i32
    %dma_wait3A_234 = arith.constant 0 : i32
    %dma_wait3A_235 = tpu.memref_slice %arg6[%dma_wait3A_233, %dma_wait3A_234] : memref<1792x32xf32, #tpu.memory_space<vmem>> -> memref<112x32xf32, #tpu.memory_space<vmem>>
    %dma_wait3A_236 = arith.constant 1456 : i32
    %dma_wait3A_237 = tpu.memref_slice %arg5[%dma_wait3A_236] : memref<1792xi32, #tpu.memory_space<vmem>> -> memref<112xi32, #tpu.memory_space<vmem>>
    %dma_wait3A_238 = arith.constant 0 : i32
    %dma_wait3A_239 = arith.constant 0 : i32
    %dma_wait3A_240 = tpu.memref_slice %arg2[%dma_wait3A_238, %dma_wait3A_239] : memref<1000x32xf32, #tpu.memory_space<hbm>> -> memref<1000x32xf32, #tpu.memory_space<hbm>>
    tpu.wait_indirect_dma semaphore(%arg8 : memref<!tpu.dma_semaphore, #tpu.memory_space<semaphore_mem>>) src(%dma_wait3A_240 : memref<1000x32xf32, #tpu.memory_space<hbm>>) dst(%dma_wait3A_235 : memref<112x32xf32, #tpu.memory_space<vmem>>)
    %dma_wait3A_241 = arith.constant 1568 : i32
    %dma_wait3A_242 = arith.constant 0 : i32
    %dma_wait3A_243 = tpu.memref_slice %arg6[%dma_wait3A_241, %dma_wait3A_242] : memref<1792x32xf32, #tpu.memory_space<vmem>> -> memref<112x32xf32, #tpu.memory_space<vmem>>
    %dma_wait3A_244 = arith.constant 1568 : i32
    %dma_wait3A_245 = tpu.memref_slice %arg5[%dma_wait3A_244] : memref<1792xi32, #tpu.memory_space<vmem>> -> memref<112xi32, #tpu.memory_space<vmem>>
    %dma_wait3A_246 = arith.constant 0 : i32
    %dma_wait3A_247 = arith.constant 0 : i32
    %dma_wait3A_248 = tpu.memref_slice %arg2[%dma_wait3A_246, %dma_wait3A_247] : memref<1000x32xf32, #tpu.memory_space<hbm>> -> memref<1000x32xf32, #tpu.memory_space<hbm>>
    tpu.wait_indirect_dma semaphore(%arg8 : memref<!tpu.dma_semaphore, #tpu.memory_space<semaphore_mem>>) src(%dma_wait3A_248 : memref<1000x32xf32, #tpu.memory_space<hbm>>) dst(%dma_wait3A_243 : memref<112x32xf32, #tpu.memory_space<vmem>>)
    %dma_wait3A_249 = arith.constant 1680 : i32
    %dma_wait3A_250 = arith.constant 0 : i32
    %dma_wait3A_251 = tpu.memref_slice %arg6[%dma_wait3A_249, %dma_wait3A_250] : memref<1792x32xf32, #tpu.memory_space<vmem>> -> memref<112x32xf32, #tpu.memory_space<vmem>>
    %dma_wait3A_252 = arith.constant 1680 : i32
    %dma_wait3A_253 = tpu.memref_slice %arg5[%dma_wait3A_252] : memref<1792xi32, #tpu.memory_space<vmem>> -> memref<112xi32, #tpu.memory_space<vmem>>
    %dma_wait3A_254 = arith.constant 0 : i32
    %dma_wait3A_255 = arith.constant 0 : i32
    %dma_wait3A_256 = tpu.memref_slice %arg2[%dma_wait3A_254, %dma_wait3A_255] : memref<1000x32xf32, #tpu.memory_space<hbm>> -> memref<1000x32xf32, #tpu.memory_space<hbm>>
    tpu.wait_indirect_dma semaphore(%arg8 : memref<!tpu.dma_semaphore, #tpu.memory_space<semaphore_mem>>) src(%dma_wait3A_256 : memref<1000x32xf32, #tpu.memory_space<hbm>>) dst(%dma_wait3A_251 : memref<112x32xf32, #tpu.memory_space<vmem>>)
    %scan3A = arith.constant 0 : i32
    %scan3A_257 = arith.constant 0 : i32
    %scan3A_258 = arith.constant 448 : i32
    %scan3A_259 = arith.addi %scan3A_257, %scan3A_258 : i32
    %scan3A_260 = arith.constant 1 : i32
    %scan3A_261 = scf.for %scan3A_265 = %scan3A_257 to %scan3A_259 step %scan3A_260 iter_args(%scan3A_266 = %scan3A) -> (i32)  : i32 {
      %mul3A_267 = arith.constant 4 : i32
      %mul3A_268 = arith.muli %scan3A_265, %mul3A_267 : i32
      %mul3A_269 = arith.constant 4 : i32
      %mul3A_270 = arith.muli %scan3A_265, %mul3A_269 : i32
      %mul3A_271 = arith.constant 32 : i32
      %mul3A_272 = arith.muli %mul3A_270, %mul3A_271 : i32
      %add3A_273 = arith.constant 0 : i32
      %add3A_274 = arith.addi %mul3A_268, %add3A_273 : i32
      %get3A = arith.index_cast %add3A_274 : i32 to index
      %get3A_275 = arith.constant 0 : index
      %get3A_276 = tpu.vector_load %arg6[%get3A, %get3A_275] {strides = array<i32>} : memref<1792x32xf32, #tpu.memory_space<vmem>>, vector<1x16xf32>,
      %get3A_277 = vector.shape_cast %get3A_276 : vector<1x16xf32> to vector<16xf32>
      %add3A_278 = arith.constant 0 : i32
      %add3A_279 = arith.addi %mul3A_272, %add3A_278 : i32
      %add3A_280 = arith.constant 0 : i32
      %add3A_281 = arith.addi %add3A_279, %add3A_280 : i32
      %swap3A = arith.index_cast %add3A_281 : i32 to index
      %swap3A_282 = tpu.vector_load %arg7[%swap3A] {strides = array<i32>} : memref<57344xf32, #tpu.memory_space<vmem>>, vector<16xf32>,
      %swap3A_283 = vector.shape_cast %swap3A_282 : vector<16xf32> to vector<16xf32>
      %swap3A_284 = vector.shape_cast %get3A_277 : vector<16xf32> to vector<16xf32>
      tpu.vector_store %arg7[%swap3A], %swap3A_284 {strides = array<i32>} : memref<57344xf32, #tpu.memory_space<vmem>>, vector<16xf32>,
      %add3A_285 = arith.constant 0 : i32
      %add3A_286 = arith.addi %mul3A_268, %add3A_285 : i32
      %get3A_287 = arith.index_cast %add3A_286 : i32 to index
      %get3A_288 = arith.constant 16 : index
      %get3A_289 = tpu.vector_load %arg6[%get3A_287, %get3A_288] {strides = array<i32>} : memref<1792x32xf32, #tpu.memory_space<vmem>>, vector<1x16xf32>,
      %get3A_290 = vector.shape_cast %get3A_289 : vector<1x16xf32> to vector<16xf32>
      %add3A_291 = arith.constant 0 : i32
      %add3A_292 = arith.addi %mul3A_272, %add3A_291 : i32
      %add3A_293 = arith.constant 16 : i32
      %add3A_294 = arith.addi %add3A_292, %add3A_293 : i32
      %swap3A_295 = arith.index_cast %add3A_294 : i32 to index
      %swap3A_296 = tpu.vector_load %arg7[%swap3A_295] {strides = array<i32>} : memref<57344xf32, #tpu.memory_space<vmem>>, vector<16xf32>,
      %swap3A_297 = vector.shape_cast %swap3A_296 : vector<16xf32> to vector<16xf32>
      %swap3A_298 = vector.shape_cast %get3A_290 : vector<16xf32> to vector<16xf32>
      tpu.vector_store %arg7[%swap3A_295], %swap3A_298 {strides = array<i32>} : memref<57344xf32, #tpu.memory_space<vmem>>, vector<16xf32>,
      %add3A_299 = arith.constant 1 : i32
      %add3A_300 = arith.addi %mul3A_268, %add3A_299 : i32
      %get3A_301 = arith.index_cast %add3A_300 : i32 to index
      %get3A_302 = arith.constant 0 : index
      %get3A_303 = tpu.vector_load %arg6[%get3A_301, %get3A_302] {strides = array<i32>} : memref<1792x32xf32, #tpu.memory_space<vmem>>, vector<1x16xf32>,
      %get3A_304 = vector.shape_cast %get3A_303 : vector<1x16xf32> to vector<16xf32>
      %add3A_305 = arith.constant 32 : i32
      %add3A_306 = arith.addi %mul3A_272, %add3A_305 : i32
      %add3A_307 = arith.constant 0 : i32
      %add3A_308 = arith.addi %add3A_306, %add3A_307 : i32
      %swap3A_309 = arith.index_cast %add3A_308 : i32 to index
      %swap3A_310 = tpu.vector_load %arg7[%swap3A_309] {strides = array<i32>} : memref<57344xf32, #tpu.memory_space<vmem>>, vector<16xf32>,
      %swap3A_311 = vector.shape_cast %swap3A_310 : vector<16xf32> to vector<16xf32>
      %swap3A_312 = vector.shape_cast %get3A_304 : vector<16xf32> to vector<16xf32>
      tpu.vector_store %arg7[%swap3A_309], %swap3A_312 {strides = array<i32>} : memref<57344xf32, #tpu.memory_space<vmem>>, vector<16xf32>,
      %add3A_313 = arith.constant 1 : i32
      %add3A_314 = arith.addi %mul3A_268, %add3A_313 : i32
      %get3A_315 = arith.index_cast %add3A_314 : i32 to index
      %get3A_316 = arith.constant 16 : index
      %get3A_317 = tpu.vector_load %arg6[%get3A_315, %get3A_316] {strides = array<i32>} : memref<1792x32xf32, #tpu.memory_space<vmem>>, vector<1x16xf32>,
      %get3A_318 = vector.shape_cast %get3A_317 : vector<1x16xf32> to vector<16xf32>
      %add3A_319 = arith.constant 32 : i32
      %add3A_320 = arith.addi %mul3A_272, %add3A_319 : i32
      %add3A_321 = arith.constant 16 : i32
      %add3A_322 = arith.addi %add3A_320, %add3A_321 : i32
      %swap3A_323 = arith.index_cast %add3A_322 : i32 to index
      %swap3A_324 = tpu.vector_load %arg7[%swap3A_323] {strides = array<i32>} : memref<57344xf32, #tpu.memory_space<vmem>>, vector<16xf32>,
      %swap3A_325 = vector.shape_cast %swap3A_324 : vector<16xf32> to vector<16xf32>
      %swap3A_326 = vector.shape_cast %get3A_318 : vector<16xf32> to vector<16xf32>
      tpu.vector_store %arg7[%swap3A_323], %swap3A_326 {strides = array<i32>} : memref<57344xf32, #tpu.memory_space<vmem>>, vector<16xf32>,
      %add3A_327 = arith.constant 2 : i32
      %add3A_328 = arith.addi %mul3A_268, %add3A_327 : i32
      %get3A_329 = arith.index_cast %add3A_328 : i32 to index
      %get3A_330 = arith.constant 0 : index
      %get3A_331 = tpu.vector_load %arg6[%get3A_329, %get3A_330] {strides = array<i32>} : memref<1792x32xf32, #tpu.memory_space<vmem>>, vector<1x16xf32>,
      %get3A_332 = vector.shape_cast %get3A_331 : vector<1x16xf32> to vector<16xf32>
      %add3A_333 = arith.constant 64 : i32
      %add3A_334 = arith.addi %mul3A_272, %add3A_333 : i32
      %add3A_335 = arith.constant 0 : i32
      %add3A_336 = arith.addi %add3A_334, %add3A_335 : i32
      %swap3A_337 = arith.index_cast %add3A_336 : i32 to index
      %swap3A_338 = tpu.vector_load %arg7[%swap3A_337] {strides = array<i32>} : memref<57344xf32, #tpu.memory_space<vmem>>, vector<16xf32>,
      %swap3A_339 = vector.shape_cast %swap3A_338 : vector<16xf32> to vector<16xf32>
      %swap3A_340 = vector.shape_cast %get3A_332 : vector<16xf32> to vector<16xf32>
      tpu.vector_store %arg7[%swap3A_337], %swap3A_340 {strides = array<i32>} : memref<57344xf32, #tpu.memory_space<vmem>>, vector<16xf32>,
      %add3A_341 = arith.constant 2 : i32
      %add3A_342 = arith.addi %mul3A_268, %add3A_341 : i32
      %get3A_343 = arith.index_cast %add3A_342 : i32 to index
      %get3A_344 = arith.constant 16 : index
      %get3A_345 = tpu.vector_load %arg6[%get3A_343, %get3A_344] {strides = array<i32>} : memref<1792x32xf32, #tpu.memory_space<vmem>>, vector<1x16xf32>,
      %get3A_346 = vector.shape_cast %get3A_345 : vector<1x16xf32> to vector<16xf32>
      %add3A_347 = arith.constant 64 : i32
      %add3A_348 = arith.addi %mul3A_272, %add3A_347 : i32
      %add3A_349 = arith.constant 16 : i32
      %add3A_350 = arith.addi %add3A_348, %add3A_349 : i32
      %swap3A_351 = arith.index_cast %add3A_350 : i32 to index
      %swap3A_352 = tpu.vector_load %arg7[%swap3A_351] {strides = array<i32>} : memref<57344xf32, #tpu.memory_space<vmem>>, vector<16xf32>,
      %swap3A_353 = vector.shape_cast %swap3A_352 : vector<16xf32> to vector<16xf32>
      %swap3A_354 = vector.shape_cast %get3A_346 : vector<16xf32> to vector<16xf32>
      tpu.vector_store %arg7[%swap3A_351], %swap3A_354 {strides = array<i32>} : memref<57344xf32, #tpu.memory_space<vmem>>, vector<16xf32>,
      %add3A_355 = arith.constant 3 : i32
      %add3A_356 = arith.addi %mul3A_268, %add3A_355 : i32
      %get3A_357 = arith.index_cast %add3A_356 : i32 to index
      %get3A_358 = arith.constant 0 : index
      %get3A_359 = tpu.vector_load %arg6[%get3A_357, %get3A_358] {strides = array<i32>} : memref<1792x32xf32, #tpu.memory_space<vmem>>, vector<1x16xf32>,
      %get3A_360 = vector.shape_cast %get3A_359 : vector<1x16xf32> to vector<16xf32>
      %add3A_361 = arith.constant 96 : i32
      %add3A_362 = arith.addi %mul3A_272, %add3A_361 : i32
      %add3A_363 = arith.constant 0 : i32
      %add3A_364 = arith.addi %add3A_362, %add3A_363 : i32
      %swap3A_365 = arith.index_cast %add3A_364 : i32 to index
      %swap3A_366 = tpu.vector_load %arg7[%swap3A_365] {strides = array<i32>} : memref<57344xf32, #tpu.memory_space<vmem>>, vector<16xf32>,
      %swap3A_367 = vector.shape_cast %swap3A_366 : vector<16xf32> to vector<16xf32>
      %swap3A_368 = vector.shape_cast %get3A_360 : vector<16xf32> to vector<16xf32>
      tpu.vector_store %arg7[%swap3A_365], %swap3A_368 {strides = array<i32>} : memref<57344xf32, #tpu.memory_space<vmem>>, vector<16xf32>,
      %add3A_369 = arith.constant 3 : i32
      %add3A_370 = arith.addi %mul3A_268, %add3A_369 : i32
      %get3A_371 = arith.index_cast %add3A_370 : i32 to index
      %get3A_372 = arith.constant 16 : index
      %get3A_373 = tpu.vector_load %arg6[%get3A_371, %get3A_372] {strides = array<i32>} : memref<1792x32xf32, #tpu.memory_space<vmem>>, vector<1x16xf32>,
      %get3A_374 = vector.shape_cast %get3A_373 : vector<1x16xf32> to vector<16xf32>
      %add3A_375 = arith.constant 96 : i32
      %add3A_376 = arith.addi %mul3A_272, %add3A_375 : i32
      %add3A_377 = arith.constant 16 : i32
      %add3A_378 = arith.addi %add3A_376, %add3A_377 : i32
      %swap3A_379 = arith.index_cast %add3A_378 : i32 to index
      %swap3A_380 = tpu.vector_load %arg7[%swap3A_379] {strides = array<i32>} : memref<57344xf32, #tpu.memory_space<vmem>>, vector<16xf32>,
      %swap3A_381 = vector.shape_cast %swap3A_380 : vector<16xf32> to vector<16xf32>
      %swap3A_382 = vector.shape_cast %get3A_374 : vector<16xf32> to vector<16xf32>
      tpu.vector_store %arg7[%swap3A_379], %swap3A_382 {strides = array<i32>} : memref<57344xf32, #tpu.memory_space<vmem>>, vector<16xf32>,
      %scan3A_383 = arith.constant 0 : i32
      scf.yield %scan3A_383 : i32
    }
    %scan3A_262 = arith.constant 448 : i32
    %mul3A_263 = arith.constant 57344 : i32
    %mul3A_264 = arith.muli %add3A, %mul3A_263 : i32
    "tpu.region"() ({
      %run_scoped3A = tpu.sem_alloc : memref<!tpu.dma_semaphore, #tpu.memory_space<semaphore_mem>>
      %dma_start3A_265 = tpu.memref_slice %arg4[%mul3A_264] : memref<1835008xf32, #tpu.memory_space<hbm>> -> memref<57344xf32, #tpu.memory_space<hbm>>
      %dma_start3A_266 = tpu.memref_slice %arg4[%mul3A_264] : memref<1835008xf32, #tpu.memory_space<hbm>> -> memref<57344xf32, #tpu.memory_space<hbm>>
      tpu.enqueue_dma source(%arg7 : memref<57344xf32, #tpu.memory_space<vmem>>) target(%dma_start3A_266 : memref<57344xf32, #tpu.memory_space<hbm>>) target_semaphore(%run_scoped3A : memref<!tpu.dma_semaphore, #tpu.memory_space<semaphore_mem>>)
      %dma_wait3A_267 = tpu.memref_slice %arg4[%mul3A_264] : memref<1835008xf32, #tpu.memory_space<hbm>> -> memref<57344xf32, #tpu.memory_space<hbm>>
      %dma_wait3A_268 = tpu.memref_slice %arg4[%mul3A_264] : memref<1835008xf32, #tpu.memory_space<hbm>> -> memref<57344xf32, #tpu.memory_space<hbm>>
      tpu.wait_dma2 semaphore(%run_scoped3A : memref<!tpu.dma_semaphore, #tpu.memory_space<semaphore_mem>>) src(%arg7 : memref<57344xf32, #tpu.memory_space<vmem>>) dst(%dma_wait3A_268 : memref<57344xf32, #tpu.memory_space<hbm>>)
      tpu.yield
    }) : () -> ()
    return
  }
}

module attributes {stable_mosaic.version = 14 : i64} {
  func.func @_attn_body(%arg0: i32, %arg1: memref<896x128xf32, #tpu.memory_space<vmem>>, %arg2: memref<896x128xf32, #tpu.memory_space<vmem>>, %arg3: memref<32x32xf32, #tpu.memory_space<vmem>>, %arg4: memref<32x32xf32, #tpu.memory_space<vmem>>, %arg5: memref<32x32xf32, #tpu.memory_space<vmem>>, %arg6: memref<56x56xf32, #tpu.memory_space<vmem>>, %arg7: memref<896x128xf32, #tpu.memory_space<vmem>>) attributes {dimension_semantics = [#tpu.dimension_semantics<parallel>], iteration_bounds = array<i64: 16>, scalar_prefetch = 0 : i64, scratch_operands = 0 : i64, tpu.core_type = #tpu.core_type<tc>, window_params = [{transform_indices = @transform_0, window_bounds = array<i64: 896, 128>}, {pipeline_mode = #tpu.pipeline_mode<synchronous>, transform_indices = @transform_1, window_bounds = array<i64: 896, 128>}, {pipeline_mode = #tpu.pipeline_mode<synchronous>, transform_indices = @transform_2, window_bounds = array<i64: 32, 32>}, {pipeline_mode = #tpu.pipeline_mode<synchronous>, transform_indices = @transform_3, window_bounds = array<i64: 32, 32>}, {pipeline_mode = #tpu.pipeline_mode<synchronous>, transform_indices = @transform_4, window_bounds = array<i64: 32, 32>}, {pipeline_mode = #tpu.pipeline_mode<synchronous>, transform_indices = @transform_5, window_bounds = array<i64: 56, 56>}, {transform_indices = @transform_6, window_bounds = array<i64: 896, 128>}]} {
    %get3A = arith.constant 0 : index
    %get3A_0 = arith.constant 0 : index
    %get3A_1 = vector.load %arg1[%get3A, %get3A_0] : memref<896x128xf32, #tpu.memory_space<vmem>>, vector<896x128xf32>
    %get3A_2 = arith.constant 0 : index
    %get3A_3 = arith.constant 0 : index
    %get3A_4 = vector.load %arg2[%get3A_2, %get3A_3] : memref<896x128xf32, #tpu.memory_space<vmem>>, vector<896x128xf32>
    %add3A = arith.addf %get3A_1, %get3A_4 : vector<896x128xf32>
    %slice3A = vector.extract_strided_slice %add3A {offsets = [0, 0], sizes = [896, 32], strides = [1, 1]} : vector<896x128xf32> to vector<896x32xf32>
    %slice3A_5 = vector.extract_strided_slice %add3A {offsets = [0, 32], sizes = [896, 32], strides = [1, 1]} : vector<896x128xf32> to vector<896x32xf32>
    %slice3A_6 = vector.extract_strided_slice %add3A {offsets = [0, 64], sizes = [896, 32], strides = [1, 1]} : vector<896x128xf32> to vector<896x32xf32>
    %slice3A_7 = vector.extract_strided_slice %add3A {offsets = [0, 96], sizes = [896, 32], strides = [1, 1]} : vector<896x128xf32> to vector<896x32xf32>
    %concatenate3A = tpu.concatenate %slice3A, %slice3A_5, %slice3A_6, %slice3A_7 in 0 : vector<896x32xf32>, vector<896x32xf32>, vector<896x32xf32>, vector<896x32xf32> -> vector<3584x32xf32>
    %reshape3A = vector.shape_cast %concatenate3A : vector<3584x32xf32> to vector<64x56x32xf32>
    %get3A_8 = arith.constant 0 : index
    %get3A_9 = arith.constant 0 : index
    %get3A_10 = vector.load %arg4[%get3A_8, %get3A_9] : memref<32x32xf32, #tpu.memory_space<vmem>>, vector<32x32xf32>
    %dot_general3A = arith.constant dense<0.000000e+00> : vector<64x56x32xf32>
    %dot_general3A_11 = tpu.matmul %reshape3A, %get3A_10, %dot_general3A {dimension_numbers = #tpu.dot_dimension_numbers<[2], [0], [0, 1], [1], [0, 0, 0, 1, 1, 1], [], []>, transpose_lhs_hint = false} : vector<64x56x32xf32>, vector<32x32xf32>, vector<64x56x32xf32> -> vector<64x56x32xf32>
    %get3A_12 = arith.constant 0 : index
    %get3A_13 = arith.constant 0 : index
    %get3A_14 = vector.load %arg3[%get3A_12, %get3A_13] : memref<32x32xf32, #tpu.memory_space<vmem>>, vector<32x32xf32>
    %dot_general3A_15 = arith.constant dense<0.000000e+00> : vector<64x56x32xf32>
    %dot_general3A_16 = tpu.matmul %reshape3A, %get3A_14, %dot_general3A_15 {dimension_numbers = #tpu.dot_dimension_numbers<[2], [0], [0, 1], [1], [0, 0, 0, 1, 1, 1], [], []>, transpose_lhs_hint = false} : vector<64x56x32xf32>, vector<32x32xf32>, vector<64x56x32xf32> -> vector<64x56x32xf32>
    %get3A_17 = arith.constant 0 : index
    %get3A_18 = arith.constant 0 : index
    %get3A_19 = vector.load %arg5[%get3A_17, %get3A_18] : memref<32x32xf32, #tpu.memory_space<vmem>>, vector<32x32xf32>
    %dot_general3A_20 = arith.constant dense<0.000000e+00> : vector<64x56x32xf32>
    %dot_general3A_21 = tpu.matmul %reshape3A, %get3A_19, %dot_general3A_20 {dimension_numbers = #tpu.dot_dimension_numbers<[2], [0], [0, 1], [1], [0, 0, 0, 1, 1, 1], [], []>, transpose_lhs_hint = false} : vector<64x56x32xf32>, vector<32x32xf32>, vector<64x56x32xf32> -> vector<64x56x32xf32>
    %dot_general3A_22 = arith.constant dense<0.000000e+00> : vector<64x56x56xf32>
    %dot_general3A_23 = tpu.matmul %dot_general3A_11, %dot_general3A_16, %dot_general3A_22 {dimension_numbers = #tpu.dot_dimension_numbers<[2], [2], [1], [1], [0, 0, 0, 1, 1, 1], [0], [0]>, transpose_lhs_hint = false} : vector<64x56x32xf32>, vector<64x56x32xf32>, vector<64x56x56xf32> -> vector<64x56x56xf32>
    %mul3A = arith.constant 0.176776692 : f32
    %mul3A_24 = vector.broadcast %mul3A : f32 to vector<64x56x56xf32>
    %mul3A_25 = arith.mulf %dot_general3A_23, %mul3A_24 : vector<64x56x56xf32>
    %get3A_26 = arith.constant 0 : index
    %get3A_27 = arith.constant 0 : index
    %get3A_28 = vector.load %arg6[%get3A_26, %get3A_27] : memref<56x56xf32, #tpu.memory_space<vmem>>, vector<56x56xf32>
    %broadcast_in_dim3A = vector.shape_cast %get3A_28 : vector<56x56xf32> to vector<1x56x56xf32>
    %add3A_29 = vector.broadcast %broadcast_in_dim3A : vector<1x56x56xf32> to vector<64x56x56xf32>
    %add3A_30 = arith.addf %mul3A_25, %add3A_29 : vector<64x56x56xf32>
    %reduce_max3A = arith.constant dense<0xFF800000> : vector<64x56xf32>
    %reduce_max3A_31 = vector.multi_reduction <maximumf>, %add3A_30, %reduce_max3A [2] : vector<64x56x56xf32> to vector<64x56xf32>
    %broadcast_in_dim3A_32 = vector.shape_cast %reduce_max3A_31 : vector<64x56xf32> to vector<64x56x1xf32>
    %sub3A = vector.broadcast %broadcast_in_dim3A_32 : vector<64x56x1xf32> to vector<64x56x56xf32>
    %sub3A_33 = arith.subf %add3A_30, %sub3A : vector<64x56x56xf32>
    %exp3A = math.exp %sub3A_33 : vector<64x56x56xf32>
    %reduce_sum3A = arith.constant dense<0.000000e+00> : vector<64x56xf32>
    %reduce_sum3A_34 = vector.multi_reduction <add>, %exp3A, %reduce_sum3A [2] : vector<64x56x56xf32> to vector<64x56xf32>
    %broadcast_in_dim3A_35 = vector.shape_cast %reduce_sum3A_34 : vector<64x56xf32> to vector<64x56x1xf32>
    %dot_general3A_36 = arith.constant dense<0.000000e+00> : vector<64x56x32xf32>
    %dot_general3A_37 = tpu.matmul %exp3A, %dot_general3A_21, %dot_general3A_36 {dimension_numbers = #tpu.dot_dimension_numbers<[2], [1], [1], [2], [0, 0, 0, 1, 1, 2], [0], [0]>, transpose_lhs_hint = false} : vector<64x56x56xf32>, vector<64x56x32xf32>, vector<64x56x32xf32> -> vector<64x56x32xf32>
    %div3A = vector.broadcast %broadcast_in_dim3A_35 : vector<64x56x1xf32> to vector<64x56x32xf32>
    %div3A_38 = arith.divf %dot_general3A_37, %div3A : vector<64x56x32xf32>
    %slice3A_39 = vector.extract_strided_slice %div3A_38 {offsets = [0, 0, 0], sizes = [1, 56, 32], strides = [1, 1, 1]} : vector<64x56x32xf32> to vector<1x56x32xf32>
    %squeeze3A = vector.shape_cast %slice3A_39 : vector<1x56x32xf32> to vector<56x32xf32>
    %slice3A_40 = vector.extract_strided_slice %div3A_38 {offsets = [16, 0, 0], sizes = [1, 56, 32], strides = [1, 1, 1]} : vector<64x56x32xf32> to vector<1x56x32xf32>
    %squeeze3A_41 = vector.shape_cast %slice3A_40 : vector<1x56x32xf32> to vector<56x32xf32>
    %slice3A_42 = vector.extract_strided_slice %div3A_38 {offsets = [32, 0, 0], sizes = [1, 56, 32], strides = [1, 1, 1]} : vector<64x56x32xf32> to vector<1x56x32xf32>
    %squeeze3A_43 = vector.shape_cast %slice3A_42 : vector<1x56x32xf32> to vector<56x32xf32>
    %slice3A_44 = vector.extract_strided_slice %div3A_38 {offsets = [48, 0, 0], sizes = [1, 56, 32], strides = [1, 1, 1]} : vector<64x56x32xf32> to vector<1x56x32xf32>
    %squeeze3A_45 = vector.shape_cast %slice3A_44 : vector<1x56x32xf32> to vector<56x32xf32>
    %concatenate3A_46 = tpu.concatenate %squeeze3A, %squeeze3A_41, %squeeze3A_43, %squeeze3A_45 in 1 : vector<56x32xf32>, vector<56x32xf32>, vector<56x32xf32>, vector<56x32xf32> -> vector<56x128xf32>
    %slice3A_47 = vector.extract_strided_slice %div3A_38 {offsets = [1, 0, 0], sizes = [1, 56, 32], strides = [1, 1, 1]} : vector<64x56x32xf32> to vector<1x56x32xf32>
    %squeeze3A_48 = vector.shape_cast %slice3A_47 : vector<1x56x32xf32> to vector<56x32xf32>
    %slice3A_49 = vector.extract_strided_slice %div3A_38 {offsets = [17, 0, 0], sizes = [1, 56, 32], strides = [1, 1, 1]} : vector<64x56x32xf32> to vector<1x56x32xf32>
    %squeeze3A_50 = vector.shape_cast %slice3A_49 : vector<1x56x32xf32> to vector<56x32xf32>
    %slice3A_51 = vector.extract_strided_slice %div3A_38 {offsets = [33, 0, 0], sizes = [1, 56, 32], strides = [1, 1, 1]} : vector<64x56x32xf32> to vector<1x56x32xf32>
    %squeeze3A_52 = vector.shape_cast %slice3A_51 : vector<1x56x32xf32> to vector<56x32xf32>
    %slice3A_53 = vector.extract_strided_slice %div3A_38 {offsets = [49, 0, 0], sizes = [1, 56, 32], strides = [1, 1, 1]} : vector<64x56x32xf32> to vector<1x56x32xf32>
    %squeeze3A_54 = vector.shape_cast %slice3A_53 : vector<1x56x32xf32> to vector<56x32xf32>
    %concatenate3A_55 = tpu.concatenate %squeeze3A_48, %squeeze3A_50, %squeeze3A_52, %squeeze3A_54 in 1 : vector<56x32xf32>, vector<56x32xf32>, vector<56x32xf32>, vector<56x32xf32> -> vector<56x128xf32>
    %slice3A_56 = vector.extract_strided_slice %div3A_38 {offsets = [2, 0, 0], sizes = [1, 56, 32], strides = [1, 1, 1]} : vector<64x56x32xf32> to vector<1x56x32xf32>
    %squeeze3A_57 = vector.shape_cast %slice3A_56 : vector<1x56x32xf32> to vector<56x32xf32>
    %slice3A_58 = vector.extract_strided_slice %div3A_38 {offsets = [18, 0, 0], sizes = [1, 56, 32], strides = [1, 1, 1]} : vector<64x56x32xf32> to vector<1x56x32xf32>
    %squeeze3A_59 = vector.shape_cast %slice3A_58 : vector<1x56x32xf32> to vector<56x32xf32>
    %slice3A_60 = vector.extract_strided_slice %div3A_38 {offsets = [34, 0, 0], sizes = [1, 56, 32], strides = [1, 1, 1]} : vector<64x56x32xf32> to vector<1x56x32xf32>
    %squeeze3A_61 = vector.shape_cast %slice3A_60 : vector<1x56x32xf32> to vector<56x32xf32>
    %slice3A_62 = vector.extract_strided_slice %div3A_38 {offsets = [50, 0, 0], sizes = [1, 56, 32], strides = [1, 1, 1]} : vector<64x56x32xf32> to vector<1x56x32xf32>
    %squeeze3A_63 = vector.shape_cast %slice3A_62 : vector<1x56x32xf32> to vector<56x32xf32>
    %concatenate3A_64 = tpu.concatenate %squeeze3A_57, %squeeze3A_59, %squeeze3A_61, %squeeze3A_63 in 1 : vector<56x32xf32>, vector<56x32xf32>, vector<56x32xf32>, vector<56x32xf32> -> vector<56x128xf32>
    %slice3A_65 = vector.extract_strided_slice %div3A_38 {offsets = [3, 0, 0], sizes = [1, 56, 32], strides = [1, 1, 1]} : vector<64x56x32xf32> to vector<1x56x32xf32>
    %squeeze3A_66 = vector.shape_cast %slice3A_65 : vector<1x56x32xf32> to vector<56x32xf32>
    %slice3A_67 = vector.extract_strided_slice %div3A_38 {offsets = [19, 0, 0], sizes = [1, 56, 32], strides = [1, 1, 1]} : vector<64x56x32xf32> to vector<1x56x32xf32>
    %squeeze3A_68 = vector.shape_cast %slice3A_67 : vector<1x56x32xf32> to vector<56x32xf32>
    %slice3A_69 = vector.extract_strided_slice %div3A_38 {offsets = [35, 0, 0], sizes = [1, 56, 32], strides = [1, 1, 1]} : vector<64x56x32xf32> to vector<1x56x32xf32>
    %squeeze3A_70 = vector.shape_cast %slice3A_69 : vector<1x56x32xf32> to vector<56x32xf32>
    %slice3A_71 = vector.extract_strided_slice %div3A_38 {offsets = [51, 0, 0], sizes = [1, 56, 32], strides = [1, 1, 1]} : vector<64x56x32xf32> to vector<1x56x32xf32>
    %squeeze3A_72 = vector.shape_cast %slice3A_71 : vector<1x56x32xf32> to vector<56x32xf32>
    %concatenate3A_73 = tpu.concatenate %squeeze3A_66, %squeeze3A_68, %squeeze3A_70, %squeeze3A_72 in 1 : vector<56x32xf32>, vector<56x32xf32>, vector<56x32xf32>, vector<56x32xf32> -> vector<56x128xf32>
    %slice3A_74 = vector.extract_strided_slice %div3A_38 {offsets = [4, 0, 0], sizes = [1, 56, 32], strides = [1, 1, 1]} : vector<64x56x32xf32> to vector<1x56x32xf32>
    %squeeze3A_75 = vector.shape_cast %slice3A_74 : vector<1x56x32xf32> to vector<56x32xf32>
    %slice3A_76 = vector.extract_strided_slice %div3A_38 {offsets = [20, 0, 0], sizes = [1, 56, 32], strides = [1, 1, 1]} : vector<64x56x32xf32> to vector<1x56x32xf32>
    %squeeze3A_77 = vector.shape_cast %slice3A_76 : vector<1x56x32xf32> to vector<56x32xf32>
    %slice3A_78 = vector.extract_strided_slice %div3A_38 {offsets = [36, 0, 0], sizes = [1, 56, 32], strides = [1, 1, 1]} : vector<64x56x32xf32> to vector<1x56x32xf32>
    %squeeze3A_79 = vector.shape_cast %slice3A_78 : vector<1x56x32xf32> to vector<56x32xf32>
    %slice3A_80 = vector.extract_strided_slice %div3A_38 {offsets = [52, 0, 0], sizes = [1, 56, 32], strides = [1, 1, 1]} : vector<64x56x32xf32> to vector<1x56x32xf32>
    %squeeze3A_81 = vector.shape_cast %slice3A_80 : vector<1x56x32xf32> to vector<56x32xf32>
    %concatenate3A_82 = tpu.concatenate %squeeze3A_75, %squeeze3A_77, %squeeze3A_79, %squeeze3A_81 in 1 : vector<56x32xf32>, vector<56x32xf32>, vector<56x32xf32>, vector<56x32xf32> -> vector<56x128xf32>
    %slice3A_83 = vector.extract_strided_slice %div3A_38 {offsets = [5, 0, 0], sizes = [1, 56, 32], strides = [1, 1, 1]} : vector<64x56x32xf32> to vector<1x56x32xf32>
    %squeeze3A_84 = vector.shape_cast %slice3A_83 : vector<1x56x32xf32> to vector<56x32xf32>
    %slice3A_85 = vector.extract_strided_slice %div3A_38 {offsets = [21, 0, 0], sizes = [1, 56, 32], strides = [1, 1, 1]} : vector<64x56x32xf32> to vector<1x56x32xf32>
    %squeeze3A_86 = vector.shape_cast %slice3A_85 : vector<1x56x32xf32> to vector<56x32xf32>
    %slice3A_87 = vector.extract_strided_slice %div3A_38 {offsets = [37, 0, 0], sizes = [1, 56, 32], strides = [1, 1, 1]} : vector<64x56x32xf32> to vector<1x56x32xf32>
    %squeeze3A_88 = vector.shape_cast %slice3A_87 : vector<1x56x32xf32> to vector<56x32xf32>
    %slice3A_89 = vector.extract_strided_slice %div3A_38 {offsets = [53, 0, 0], sizes = [1, 56, 32], strides = [1, 1, 1]} : vector<64x56x32xf32> to vector<1x56x32xf32>
    %squeeze3A_90 = vector.shape_cast %slice3A_89 : vector<1x56x32xf32> to vector<56x32xf32>
    %concatenate3A_91 = tpu.concatenate %squeeze3A_84, %squeeze3A_86, %squeeze3A_88, %squeeze3A_90 in 1 : vector<56x32xf32>, vector<56x32xf32>, vector<56x32xf32>, vector<56x32xf32> -> vector<56x128xf32>
    %slice3A_92 = vector.extract_strided_slice %div3A_38 {offsets = [6, 0, 0], sizes = [1, 56, 32], strides = [1, 1, 1]} : vector<64x56x32xf32> to vector<1x56x32xf32>
    %squeeze3A_93 = vector.shape_cast %slice3A_92 : vector<1x56x32xf32> to vector<56x32xf32>
    %slice3A_94 = vector.extract_strided_slice %div3A_38 {offsets = [22, 0, 0], sizes = [1, 56, 32], strides = [1, 1, 1]} : vector<64x56x32xf32> to vector<1x56x32xf32>
    %squeeze3A_95 = vector.shape_cast %slice3A_94 : vector<1x56x32xf32> to vector<56x32xf32>
    %slice3A_96 = vector.extract_strided_slice %div3A_38 {offsets = [38, 0, 0], sizes = [1, 56, 32], strides = [1, 1, 1]} : vector<64x56x32xf32> to vector<1x56x32xf32>
    %squeeze3A_97 = vector.shape_cast %slice3A_96 : vector<1x56x32xf32> to vector<56x32xf32>
    %slice3A_98 = vector.extract_strided_slice %div3A_38 {offsets = [54, 0, 0], sizes = [1, 56, 32], strides = [1, 1, 1]} : vector<64x56x32xf32> to vector<1x56x32xf32>
    %squeeze3A_99 = vector.shape_cast %slice3A_98 : vector<1x56x32xf32> to vector<56x32xf32>
    %concatenate3A_100 = tpu.concatenate %squeeze3A_93, %squeeze3A_95, %squeeze3A_97, %squeeze3A_99 in 1 : vector<56x32xf32>, vector<56x32xf32>, vector<56x32xf32>, vector<56x32xf32> -> vector<56x128xf32>
    %slice3A_101 = vector.extract_strided_slice %div3A_38 {offsets = [7, 0, 0], sizes = [1, 56, 32], strides = [1, 1, 1]} : vector<64x56x32xf32> to vector<1x56x32xf32>
    %squeeze3A_102 = vector.shape_cast %slice3A_101 : vector<1x56x32xf32> to vector<56x32xf32>
    %slice3A_103 = vector.extract_strided_slice %div3A_38 {offsets = [23, 0, 0], sizes = [1, 56, 32], strides = [1, 1, 1]} : vector<64x56x32xf32> to vector<1x56x32xf32>
    %squeeze3A_104 = vector.shape_cast %slice3A_103 : vector<1x56x32xf32> to vector<56x32xf32>
    %slice3A_105 = vector.extract_strided_slice %div3A_38 {offsets = [39, 0, 0], sizes = [1, 56, 32], strides = [1, 1, 1]} : vector<64x56x32xf32> to vector<1x56x32xf32>
    %squeeze3A_106 = vector.shape_cast %slice3A_105 : vector<1x56x32xf32> to vector<56x32xf32>
    %slice3A_107 = vector.extract_strided_slice %div3A_38 {offsets = [55, 0, 0], sizes = [1, 56, 32], strides = [1, 1, 1]} : vector<64x56x32xf32> to vector<1x56x32xf32>
    %squeeze3A_108 = vector.shape_cast %slice3A_107 : vector<1x56x32xf32> to vector<56x32xf32>
    %concatenate3A_109 = tpu.concatenate %squeeze3A_102, %squeeze3A_104, %squeeze3A_106, %squeeze3A_108 in 1 : vector<56x32xf32>, vector<56x32xf32>, vector<56x32xf32>, vector<56x32xf32> -> vector<56x128xf32>
    %slice3A_110 = vector.extract_strided_slice %div3A_38 {offsets = [8, 0, 0], sizes = [1, 56, 32], strides = [1, 1, 1]} : vector<64x56x32xf32> to vector<1x56x32xf32>
    %squeeze3A_111 = vector.shape_cast %slice3A_110 : vector<1x56x32xf32> to vector<56x32xf32>
    %slice3A_112 = vector.extract_strided_slice %div3A_38 {offsets = [24, 0, 0], sizes = [1, 56, 32], strides = [1, 1, 1]} : vector<64x56x32xf32> to vector<1x56x32xf32>
    %squeeze3A_113 = vector.shape_cast %slice3A_112 : vector<1x56x32xf32> to vector<56x32xf32>
    %slice3A_114 = vector.extract_strided_slice %div3A_38 {offsets = [40, 0, 0], sizes = [1, 56, 32], strides = [1, 1, 1]} : vector<64x56x32xf32> to vector<1x56x32xf32>
    %squeeze3A_115 = vector.shape_cast %slice3A_114 : vector<1x56x32xf32> to vector<56x32xf32>
    %slice3A_116 = vector.extract_strided_slice %div3A_38 {offsets = [56, 0, 0], sizes = [1, 56, 32], strides = [1, 1, 1]} : vector<64x56x32xf32> to vector<1x56x32xf32>
    %squeeze3A_117 = vector.shape_cast %slice3A_116 : vector<1x56x32xf32> to vector<56x32xf32>
    %concatenate3A_118 = tpu.concatenate %squeeze3A_111, %squeeze3A_113, %squeeze3A_115, %squeeze3A_117 in 1 : vector<56x32xf32>, vector<56x32xf32>, vector<56x32xf32>, vector<56x32xf32> -> vector<56x128xf32>
    %slice3A_119 = vector.extract_strided_slice %div3A_38 {offsets = [9, 0, 0], sizes = [1, 56, 32], strides = [1, 1, 1]} : vector<64x56x32xf32> to vector<1x56x32xf32>
    %squeeze3A_120 = vector.shape_cast %slice3A_119 : vector<1x56x32xf32> to vector<56x32xf32>
    %slice3A_121 = vector.extract_strided_slice %div3A_38 {offsets = [25, 0, 0], sizes = [1, 56, 32], strides = [1, 1, 1]} : vector<64x56x32xf32> to vector<1x56x32xf32>
    %squeeze3A_122 = vector.shape_cast %slice3A_121 : vector<1x56x32xf32> to vector<56x32xf32>
    %slice3A_123 = vector.extract_strided_slice %div3A_38 {offsets = [41, 0, 0], sizes = [1, 56, 32], strides = [1, 1, 1]} : vector<64x56x32xf32> to vector<1x56x32xf32>
    %squeeze3A_124 = vector.shape_cast %slice3A_123 : vector<1x56x32xf32> to vector<56x32xf32>
    %slice3A_125 = vector.extract_strided_slice %div3A_38 {offsets = [57, 0, 0], sizes = [1, 56, 32], strides = [1, 1, 1]} : vector<64x56x32xf32> to vector<1x56x32xf32>
    %squeeze3A_126 = vector.shape_cast %slice3A_125 : vector<1x56x32xf32> to vector<56x32xf32>
    %concatenate3A_127 = tpu.concatenate %squeeze3A_120, %squeeze3A_122, %squeeze3A_124, %squeeze3A_126 in 1 : vector<56x32xf32>, vector<56x32xf32>, vector<56x32xf32>, vector<56x32xf32> -> vector<56x128xf32>
    %slice3A_128 = vector.extract_strided_slice %div3A_38 {offsets = [10, 0, 0], sizes = [1, 56, 32], strides = [1, 1, 1]} : vector<64x56x32xf32> to vector<1x56x32xf32>
    %squeeze3A_129 = vector.shape_cast %slice3A_128 : vector<1x56x32xf32> to vector<56x32xf32>
    %slice3A_130 = vector.extract_strided_slice %div3A_38 {offsets = [26, 0, 0], sizes = [1, 56, 32], strides = [1, 1, 1]} : vector<64x56x32xf32> to vector<1x56x32xf32>
    %squeeze3A_131 = vector.shape_cast %slice3A_130 : vector<1x56x32xf32> to vector<56x32xf32>
    %slice3A_132 = vector.extract_strided_slice %div3A_38 {offsets = [42, 0, 0], sizes = [1, 56, 32], strides = [1, 1, 1]} : vector<64x56x32xf32> to vector<1x56x32xf32>
    %squeeze3A_133 = vector.shape_cast %slice3A_132 : vector<1x56x32xf32> to vector<56x32xf32>
    %slice3A_134 = vector.extract_strided_slice %div3A_38 {offsets = [58, 0, 0], sizes = [1, 56, 32], strides = [1, 1, 1]} : vector<64x56x32xf32> to vector<1x56x32xf32>
    %squeeze3A_135 = vector.shape_cast %slice3A_134 : vector<1x56x32xf32> to vector<56x32xf32>
    %concatenate3A_136 = tpu.concatenate %squeeze3A_129, %squeeze3A_131, %squeeze3A_133, %squeeze3A_135 in 1 : vector<56x32xf32>, vector<56x32xf32>, vector<56x32xf32>, vector<56x32xf32> -> vector<56x128xf32>
    %slice3A_137 = vector.extract_strided_slice %div3A_38 {offsets = [11, 0, 0], sizes = [1, 56, 32], strides = [1, 1, 1]} : vector<64x56x32xf32> to vector<1x56x32xf32>
    %squeeze3A_138 = vector.shape_cast %slice3A_137 : vector<1x56x32xf32> to vector<56x32xf32>
    %slice3A_139 = vector.extract_strided_slice %div3A_38 {offsets = [27, 0, 0], sizes = [1, 56, 32], strides = [1, 1, 1]} : vector<64x56x32xf32> to vector<1x56x32xf32>
    %squeeze3A_140 = vector.shape_cast %slice3A_139 : vector<1x56x32xf32> to vector<56x32xf32>
    %slice3A_141 = vector.extract_strided_slice %div3A_38 {offsets = [43, 0, 0], sizes = [1, 56, 32], strides = [1, 1, 1]} : vector<64x56x32xf32> to vector<1x56x32xf32>
    %squeeze3A_142 = vector.shape_cast %slice3A_141 : vector<1x56x32xf32> to vector<56x32xf32>
    %slice3A_143 = vector.extract_strided_slice %div3A_38 {offsets = [59, 0, 0], sizes = [1, 56, 32], strides = [1, 1, 1]} : vector<64x56x32xf32> to vector<1x56x32xf32>
    %squeeze3A_144 = vector.shape_cast %slice3A_143 : vector<1x56x32xf32> to vector<56x32xf32>
    %concatenate3A_145 = tpu.concatenate %squeeze3A_138, %squeeze3A_140, %squeeze3A_142, %squeeze3A_144 in 1 : vector<56x32xf32>, vector<56x32xf32>, vector<56x32xf32>, vector<56x32xf32> -> vector<56x128xf32>
    %slice3A_146 = vector.extract_strided_slice %div3A_38 {offsets = [12, 0, 0], sizes = [1, 56, 32], strides = [1, 1, 1]} : vector<64x56x32xf32> to vector<1x56x32xf32>
    %squeeze3A_147 = vector.shape_cast %slice3A_146 : vector<1x56x32xf32> to vector<56x32xf32>
    %slice3A_148 = vector.extract_strided_slice %div3A_38 {offsets = [28, 0, 0], sizes = [1, 56, 32], strides = [1, 1, 1]} : vector<64x56x32xf32> to vector<1x56x32xf32>
    %squeeze3A_149 = vector.shape_cast %slice3A_148 : vector<1x56x32xf32> to vector<56x32xf32>
    %slice3A_150 = vector.extract_strided_slice %div3A_38 {offsets = [44, 0, 0], sizes = [1, 56, 32], strides = [1, 1, 1]} : vector<64x56x32xf32> to vector<1x56x32xf32>
    %squeeze3A_151 = vector.shape_cast %slice3A_150 : vector<1x56x32xf32> to vector<56x32xf32>
    %slice3A_152 = vector.extract_strided_slice %div3A_38 {offsets = [60, 0, 0], sizes = [1, 56, 32], strides = [1, 1, 1]} : vector<64x56x32xf32> to vector<1x56x32xf32>
    %squeeze3A_153 = vector.shape_cast %slice3A_152 : vector<1x56x32xf32> to vector<56x32xf32>
    %concatenate3A_154 = tpu.concatenate %squeeze3A_147, %squeeze3A_149, %squeeze3A_151, %squeeze3A_153 in 1 : vector<56x32xf32>, vector<56x32xf32>, vector<56x32xf32>, vector<56x32xf32> -> vector<56x128xf32>
    %slice3A_155 = vector.extract_strided_slice %div3A_38 {offsets = [13, 0, 0], sizes = [1, 56, 32], strides = [1, 1, 1]} : vector<64x56x32xf32> to vector<1x56x32xf32>
    %squeeze3A_156 = vector.shape_cast %slice3A_155 : vector<1x56x32xf32> to vector<56x32xf32>
    %slice3A_157 = vector.extract_strided_slice %div3A_38 {offsets = [29, 0, 0], sizes = [1, 56, 32], strides = [1, 1, 1]} : vector<64x56x32xf32> to vector<1x56x32xf32>
    %squeeze3A_158 = vector.shape_cast %slice3A_157 : vector<1x56x32xf32> to vector<56x32xf32>
    %slice3A_159 = vector.extract_strided_slice %div3A_38 {offsets = [45, 0, 0], sizes = [1, 56, 32], strides = [1, 1, 1]} : vector<64x56x32xf32> to vector<1x56x32xf32>
    %squeeze3A_160 = vector.shape_cast %slice3A_159 : vector<1x56x32xf32> to vector<56x32xf32>
    %slice3A_161 = vector.extract_strided_slice %div3A_38 {offsets = [61, 0, 0], sizes = [1, 56, 32], strides = [1, 1, 1]} : vector<64x56x32xf32> to vector<1x56x32xf32>
    %squeeze3A_162 = vector.shape_cast %slice3A_161 : vector<1x56x32xf32> to vector<56x32xf32>
    %concatenate3A_163 = tpu.concatenate %squeeze3A_156, %squeeze3A_158, %squeeze3A_160, %squeeze3A_162 in 1 : vector<56x32xf32>, vector<56x32xf32>, vector<56x32xf32>, vector<56x32xf32> -> vector<56x128xf32>
    %slice3A_164 = vector.extract_strided_slice %div3A_38 {offsets = [14, 0, 0], sizes = [1, 56, 32], strides = [1, 1, 1]} : vector<64x56x32xf32> to vector<1x56x32xf32>
    %squeeze3A_165 = vector.shape_cast %slice3A_164 : vector<1x56x32xf32> to vector<56x32xf32>
    %slice3A_166 = vector.extract_strided_slice %div3A_38 {offsets = [30, 0, 0], sizes = [1, 56, 32], strides = [1, 1, 1]} : vector<64x56x32xf32> to vector<1x56x32xf32>
    %squeeze3A_167 = vector.shape_cast %slice3A_166 : vector<1x56x32xf32> to vector<56x32xf32>
    %slice3A_168 = vector.extract_strided_slice %div3A_38 {offsets = [46, 0, 0], sizes = [1, 56, 32], strides = [1, 1, 1]} : vector<64x56x32xf32> to vector<1x56x32xf32>
    %squeeze3A_169 = vector.shape_cast %slice3A_168 : vector<1x56x32xf32> to vector<56x32xf32>
    %slice3A_170 = vector.extract_strided_slice %div3A_38 {offsets = [62, 0, 0], sizes = [1, 56, 32], strides = [1, 1, 1]} : vector<64x56x32xf32> to vector<1x56x32xf32>
    %squeeze3A_171 = vector.shape_cast %slice3A_170 : vector<1x56x32xf32> to vector<56x32xf32>
    %concatenate3A_172 = tpu.concatenate %squeeze3A_165, %squeeze3A_167, %squeeze3A_169, %squeeze3A_171 in 1 : vector<56x32xf32>, vector<56x32xf32>, vector<56x32xf32>, vector<56x32xf32> -> vector<56x128xf32>
    %slice3A_173 = vector.extract_strided_slice %div3A_38 {offsets = [15, 0, 0], sizes = [1, 56, 32], strides = [1, 1, 1]} : vector<64x56x32xf32> to vector<1x56x32xf32>
    %squeeze3A_174 = vector.shape_cast %slice3A_173 : vector<1x56x32xf32> to vector<56x32xf32>
    %slice3A_175 = vector.extract_strided_slice %div3A_38 {offsets = [31, 0, 0], sizes = [1, 56, 32], strides = [1, 1, 1]} : vector<64x56x32xf32> to vector<1x56x32xf32>
    %squeeze3A_176 = vector.shape_cast %slice3A_175 : vector<1x56x32xf32> to vector<56x32xf32>
    %slice3A_177 = vector.extract_strided_slice %div3A_38 {offsets = [47, 0, 0], sizes = [1, 56, 32], strides = [1, 1, 1]} : vector<64x56x32xf32> to vector<1x56x32xf32>
    %squeeze3A_178 = vector.shape_cast %slice3A_177 : vector<1x56x32xf32> to vector<56x32xf32>
    %slice3A_179 = vector.extract_strided_slice %div3A_38 {offsets = [63, 0, 0], sizes = [1, 56, 32], strides = [1, 1, 1]} : vector<64x56x32xf32> to vector<1x56x32xf32>
    %squeeze3A_180 = vector.shape_cast %slice3A_179 : vector<1x56x32xf32> to vector<56x32xf32>
    %concatenate3A_181 = tpu.concatenate %squeeze3A_174, %squeeze3A_176, %squeeze3A_178, %squeeze3A_180 in 1 : vector<56x32xf32>, vector<56x32xf32>, vector<56x32xf32>, vector<56x32xf32> -> vector<56x128xf32>
    %concatenate3A_182 = tpu.concatenate %concatenate3A_46, %concatenate3A_55, %concatenate3A_64, %concatenate3A_73, %concatenate3A_82, %concatenate3A_91, %concatenate3A_100, %concatenate3A_109, %concatenate3A_118, %concatenate3A_127, %concatenate3A_136, %concatenate3A_145, %concatenate3A_154, %concatenate3A_163, %concatenate3A_172, %concatenate3A_181 in 0 : vector<56x128xf32>, vector<56x128xf32>, vector<56x128xf32>, vector<56x128xf32>, vector<56x128xf32>, vector<56x128xf32>, vector<56x128xf32>, vector<56x128xf32>, vector<56x128xf32>, vector<56x128xf32>, vector<56x128xf32>, vector<56x128xf32>, vector<56x128xf32>, vector<56x128xf32>, vector<56x128xf32>, vector<56x128xf32> -> vector<896x128xf32>
    %swap3A = arith.constant 0 : index
    %swap3A_183 = arith.constant 0 : index
    %swap3A_184 = vector.load %arg7[%swap3A, %swap3A_183] : memref<896x128xf32, #tpu.memory_space<vmem>>, vector<896x128xf32>
    tpu.vector_store %arg7[%swap3A, %swap3A_183], %concatenate3A_182 {strides = array<i32>} : memref<896x128xf32, #tpu.memory_space<vmem>>, vector<896x128xf32>,
    return
  }
  func.func @transform_0(%arg0: i32) -> (i32, i32) {
    %c0_i32 = arith.constant 0 : i32
    %c0_i32_0 = arith.constant 0 : i32
    return %arg0, %c0_i32 : i32, i32
  }
  func.func @transform_1(%arg0: i32) -> (i32, i32) {
    %c0_i32 = arith.constant 0 : i32
    %c0_i32_0 = arith.constant 0 : i32
    %c0_i32_1 = arith.constant 0 : i32
    return %c0_i32, %c0_i32_0 : i32, i32
  }
  func.func @transform_2(%arg0: i32) -> (i32, i32) {
    %c0_i32 = arith.constant 0 : i32
    %c0_i32_0 = arith.constant 0 : i32
    %c0_i32_1 = arith.constant 0 : i32
    return %c0_i32, %c0_i32_0 : i32, i32
  }
  func.func @transform_3(%arg0: i32) -> (i32, i32) {
    %c0_i32 = arith.constant 0 : i32
    %c0_i32_0 = arith.constant 0 : i32
    %c0_i32_1 = arith.constant 0 : i32
    return %c0_i32, %c0_i32_0 : i32, i32
  }
  func.func @transform_4(%arg0: i32) -> (i32, i32) {
    %c0_i32 = arith.constant 0 : i32
    %c0_i32_0 = arith.constant 0 : i32
    %c0_i32_1 = arith.constant 0 : i32
    return %c0_i32, %c0_i32_0 : i32, i32
  }
  func.func @transform_5(%arg0: i32) -> (i32, i32) {
    %c0_i32 = arith.constant 0 : i32
    %c0_i32_0 = arith.constant 0 : i32
    %c0_i32_1 = arith.constant 0 : i32
    return %c0_i32, %c0_i32_0 : i32, i32
  }
  func.func @transform_6(%arg0: i32) -> (i32, i32) {
    %c0_i32 = arith.constant 0 : i32
    %c0_i32_0 = arith.constant 0 : i32
    return %arg0, %c0_i32 : i32, i32
  }
}

module attributes {stable_mosaic.version = 14 : i64} {
  func.func @_proj_body(%arg0: i32, %arg1: i32, %arg2: memref<32x8x128xf32, #tpu.memory_space<vmem>>, %arg3: memref<1000x32xf32, #tpu.memory_space<vmem>>, %arg4: memref<1000x1xf32, #tpu.memory_space<vmem>>, %arg5: memref<8x1000x128xf32, #tpu.memory_space<vmem>>) attributes {dimension_semantics = [#tpu.dimension_semantics<parallel>, #tpu.dimension_semantics<parallel>], iteration_bounds = array<i64: 7, 8>, scalar_prefetch = 0 : i64, scratch_operands = 0 : i64, tpu.core_type = #tpu.core_type<tc>, window_params = [{transform_indices = @transform_0, window_bounds = array<i64: 32, 8, 128>}, {pipeline_mode = #tpu.pipeline_mode<synchronous>, transform_indices = @transform_1, window_bounds = array<i64: 1000, 32>}, {pipeline_mode = #tpu.pipeline_mode<synchronous>, transform_indices = @transform_2, window_bounds = array<i64: 1000, 1>}, {transform_indices = @transform_3, window_bounds = array<i64: 8, 1000, 128>}]} {
    %get3A = arith.constant 0 : index
    %get3A_0 = arith.constant 0 : index
    %get3A_1 = arith.constant 0 : index
    %get3A_2 = vector.load %arg2[%get3A, %get3A_0, %get3A_1] : memref<32x8x128xf32, #tpu.memory_space<vmem>>, vector<32x1x128xf32>
    %get3A_3 = vector.shape_cast %get3A_2 : vector<32x1x128xf32> to vector<32x128xf32>
    %slice3A = vector.extract_strided_slice %get3A_3 {offsets = [0, 0], sizes = [32, 32], strides = [1, 1]} : vector<32x128xf32> to vector<32x32xf32>
    %slice3A_4 = vector.extract_strided_slice %get3A_3 {offsets = [0, 32], sizes = [32, 32], strides = [1, 1]} : vector<32x128xf32> to vector<32x32xf32>
    %slice3A_5 = vector.extract_strided_slice %get3A_3 {offsets = [0, 64], sizes = [32, 32], strides = [1, 1]} : vector<32x128xf32> to vector<32x32xf32>
    %slice3A_6 = vector.extract_strided_slice %get3A_3 {offsets = [0, 96], sizes = [32, 32], strides = [1, 1]} : vector<32x128xf32> to vector<32x32xf32>
    %concatenate3A = tpu.concatenate %slice3A, %slice3A_4, %slice3A_5, %slice3A_6 in 0 : vector<32x32xf32>, vector<32x32xf32>, vector<32x32xf32>, vector<32x32xf32> -> vector<128x32xf32>
    %get3A_7 = arith.constant 0 : index
    %get3A_8 = arith.constant 1 : index
    %get3A_9 = arith.constant 0 : index
    %get3A_10 = vector.load %arg2[%get3A_7, %get3A_8, %get3A_9] : memref<32x8x128xf32, #tpu.memory_space<vmem>>, vector<32x1x128xf32>
    %get3A_11 = vector.shape_cast %get3A_10 : vector<32x1x128xf32> to vector<32x128xf32>
    %slice3A_12 = vector.extract_strided_slice %get3A_11 {offsets = [0, 0], sizes = [32, 32], strides = [1, 1]} : vector<32x128xf32> to vector<32x32xf32>
    %slice3A_13 = vector.extract_strided_slice %get3A_11 {offsets = [0, 32], sizes = [32, 32], strides = [1, 1]} : vector<32x128xf32> to vector<32x32xf32>
    %slice3A_14 = vector.extract_strided_slice %get3A_11 {offsets = [0, 64], sizes = [32, 32], strides = [1, 1]} : vector<32x128xf32> to vector<32x32xf32>
    %slice3A_15 = vector.extract_strided_slice %get3A_11 {offsets = [0, 96], sizes = [32, 32], strides = [1, 1]} : vector<32x128xf32> to vector<32x32xf32>
    %concatenate3A_16 = tpu.concatenate %slice3A_12, %slice3A_13, %slice3A_14, %slice3A_15 in 0 : vector<32x32xf32>, vector<32x32xf32>, vector<32x32xf32>, vector<32x32xf32> -> vector<128x32xf32>
    %get3A_17 = arith.constant 0 : index
    %get3A_18 = arith.constant 2 : index
    %get3A_19 = arith.constant 0 : index
    %get3A_20 = vector.load %arg2[%get3A_17, %get3A_18, %get3A_19] : memref<32x8x128xf32, #tpu.memory_space<vmem>>, vector<32x1x128xf32>
    %get3A_21 = vector.shape_cast %get3A_20 : vector<32x1x128xf32> to vector<32x128xf32>
    %slice3A_22 = vector.extract_strided_slice %get3A_21 {offsets = [0, 0], sizes = [32, 32], strides = [1, 1]} : vector<32x128xf32> to vector<32x32xf32>
    %slice3A_23 = vector.extract_strided_slice %get3A_21 {offsets = [0, 32], sizes = [32, 32], strides = [1, 1]} : vector<32x128xf32> to vector<32x32xf32>
    %slice3A_24 = vector.extract_strided_slice %get3A_21 {offsets = [0, 64], sizes = [32, 32], strides = [1, 1]} : vector<32x128xf32> to vector<32x32xf32>
    %slice3A_25 = vector.extract_strided_slice %get3A_21 {offsets = [0, 96], sizes = [32, 32], strides = [1, 1]} : vector<32x128xf32> to vector<32x32xf32>
    %concatenate3A_26 = tpu.concatenate %slice3A_22, %slice3A_23, %slice3A_24, %slice3A_25 in 0 : vector<32x32xf32>, vector<32x32xf32>, vector<32x32xf32>, vector<32x32xf32> -> vector<128x32xf32>
    %get3A_27 = arith.constant 0 : index
    %get3A_28 = arith.constant 3 : index
    %get3A_29 = arith.constant 0 : index
    %get3A_30 = vector.load %arg2[%get3A_27, %get3A_28, %get3A_29] : memref<32x8x128xf32, #tpu.memory_space<vmem>>, vector<32x1x128xf32>
    %get3A_31 = vector.shape_cast %get3A_30 : vector<32x1x128xf32> to vector<32x128xf32>
    %slice3A_32 = vector.extract_strided_slice %get3A_31 {offsets = [0, 0], sizes = [32, 32], strides = [1, 1]} : vector<32x128xf32> to vector<32x32xf32>
    %slice3A_33 = vector.extract_strided_slice %get3A_31 {offsets = [0, 32], sizes = [32, 32], strides = [1, 1]} : vector<32x128xf32> to vector<32x32xf32>
    %slice3A_34 = vector.extract_strided_slice %get3A_31 {offsets = [0, 64], sizes = [32, 32], strides = [1, 1]} : vector<32x128xf32> to vector<32x32xf32>
    %slice3A_35 = vector.extract_strided_slice %get3A_31 {offsets = [0, 96], sizes = [32, 32], strides = [1, 1]} : vector<32x128xf32> to vector<32x32xf32>
    %concatenate3A_36 = tpu.concatenate %slice3A_32, %slice3A_33, %slice3A_34, %slice3A_35 in 0 : vector<32x32xf32>, vector<32x32xf32>, vector<32x32xf32>, vector<32x32xf32> -> vector<128x32xf32>
    %get3A_37 = arith.constant 0 : index
    %get3A_38 = arith.constant 4 : index
    %get3A_39 = arith.constant 0 : index
    %get3A_40 = vector.load %arg2[%get3A_37, %get3A_38, %get3A_39] : memref<32x8x128xf32, #tpu.memory_space<vmem>>, vector<32x1x128xf32>
    %get3A_41 = vector.shape_cast %get3A_40 : vector<32x1x128xf32> to vector<32x128xf32>
    %slice3A_42 = vector.extract_strided_slice %get3A_41 {offsets = [0, 0], sizes = [32, 32], strides = [1, 1]} : vector<32x128xf32> to vector<32x32xf32>
    %slice3A_43 = vector.extract_strided_slice %get3A_41 {offsets = [0, 32], sizes = [32, 32], strides = [1, 1]} : vector<32x128xf32> to vector<32x32xf32>
    %slice3A_44 = vector.extract_strided_slice %get3A_41 {offsets = [0, 64], sizes = [32, 32], strides = [1, 1]} : vector<32x128xf32> to vector<32x32xf32>
    %slice3A_45 = vector.extract_strided_slice %get3A_41 {offsets = [0, 96], sizes = [32, 32], strides = [1, 1]} : vector<32x128xf32> to vector<32x32xf32>
    %concatenate3A_46 = tpu.concatenate %slice3A_42, %slice3A_43, %slice3A_44, %slice3A_45 in 0 : vector<32x32xf32>, vector<32x32xf32>, vector<32x32xf32>, vector<32x32xf32> -> vector<128x32xf32>
    %get3A_47 = arith.constant 0 : index
    %get3A_48 = arith.constant 5 : index
    %get3A_49 = arith.constant 0 : index
    %get3A_50 = vector.load %arg2[%get3A_47, %get3A_48, %get3A_49] : memref<32x8x128xf32, #tpu.memory_space<vmem>>, vector<32x1x128xf32>
    %get3A_51 = vector.shape_cast %get3A_50 : vector<32x1x128xf32> to vector<32x128xf32>
    %slice3A_52 = vector.extract_strided_slice %get3A_51 {offsets = [0, 0], sizes = [32, 32], strides = [1, 1]} : vector<32x128xf32> to vector<32x32xf32>
    %slice3A_53 = vector.extract_strided_slice %get3A_51 {offsets = [0, 32], sizes = [32, 32], strides = [1, 1]} : vector<32x128xf32> to vector<32x32xf32>
    %slice3A_54 = vector.extract_strided_slice %get3A_51 {offsets = [0, 64], sizes = [32, 32], strides = [1, 1]} : vector<32x128xf32> to vector<32x32xf32>
    %slice3A_55 = vector.extract_strided_slice %get3A_51 {offsets = [0, 96], sizes = [32, 32], strides = [1, 1]} : vector<32x128xf32> to vector<32x32xf32>
    %concatenate3A_56 = tpu.concatenate %slice3A_52, %slice3A_53, %slice3A_54, %slice3A_55 in 0 : vector<32x32xf32>, vector<32x32xf32>, vector<32x32xf32>, vector<32x32xf32> -> vector<128x32xf32>
    %get3A_57 = arith.constant 0 : index
    %get3A_58 = arith.constant 6 : index
    %get3A_59 = arith.constant 0 : index
    %get3A_60 = vector.load %arg2[%get3A_57, %get3A_58, %get3A_59] : memref<32x8x128xf32, #tpu.memory_space<vmem>>, vector<32x1x128xf32>
    %get3A_61 = vector.shape_cast %get3A_60 : vector<32x1x128xf32> to vector<32x128xf32>
    %slice3A_62 = vector.extract_strided_slice %get3A_61 {offsets = [0, 0], sizes = [32, 32], strides = [1, 1]} : vector<32x128xf32> to vector<32x32xf32>
    %slice3A_63 = vector.extract_strided_slice %get3A_61 {offsets = [0, 32], sizes = [32, 32], strides = [1, 1]} : vector<32x128xf32> to vector<32x32xf32>
    %slice3A_64 = vector.extract_strided_slice %get3A_61 {offsets = [0, 64], sizes = [32, 32], strides = [1, 1]} : vector<32x128xf32> to vector<32x32xf32>
    %slice3A_65 = vector.extract_strided_slice %get3A_61 {offsets = [0, 96], sizes = [32, 32], strides = [1, 1]} : vector<32x128xf32> to vector<32x32xf32>
    %concatenate3A_66 = tpu.concatenate %slice3A_62, %slice3A_63, %slice3A_64, %slice3A_65 in 0 : vector<32x32xf32>, vector<32x32xf32>, vector<32x32xf32>, vector<32x32xf32> -> vector<128x32xf32>
    %get3A_67 = arith.constant 0 : index
    %get3A_68 = arith.constant 7 : index
    %get3A_69 = arith.constant 0 : index
    %get3A_70 = vector.load %arg2[%get3A_67, %get3A_68, %get3A_69] : memref<32x8x128xf32, #tpu.memory_space<vmem>>, vector<32x1x128xf32>
    %get3A_71 = vector.shape_cast %get3A_70 : vector<32x1x128xf32> to vector<32x128xf32>
    %slice3A_72 = vector.extract_strided_slice %get3A_71 {offsets = [0, 0], sizes = [32, 32], strides = [1, 1]} : vector<32x128xf32> to vector<32x32xf32>
    %slice3A_73 = vector.extract_strided_slice %get3A_71 {offsets = [0, 32], sizes = [32, 32], strides = [1, 1]} : vector<32x128xf32> to vector<32x32xf32>
    %slice3A_74 = vector.extract_strided_slice %get3A_71 {offsets = [0, 64], sizes = [32, 32], strides = [1, 1]} : vector<32x128xf32> to vector<32x32xf32>
    %slice3A_75 = vector.extract_strided_slice %get3A_71 {offsets = [0, 96], sizes = [32, 32], strides = [1, 1]} : vector<32x128xf32> to vector<32x32xf32>
    %concatenate3A_76 = tpu.concatenate %slice3A_72, %slice3A_73, %slice3A_74, %slice3A_75 in 0 : vector<32x32xf32>, vector<32x32xf32>, vector<32x32xf32>, vector<32x32xf32> -> vector<128x32xf32>
    %concatenate3A_77 = tpu.concatenate %concatenate3A, %concatenate3A_16, %concatenate3A_26, %concatenate3A_36, %concatenate3A_46, %concatenate3A_56, %concatenate3A_66, %concatenate3A_76 in 0 : vector<128x32xf32>, vector<128x32xf32>, vector<128x32xf32>, vector<128x32xf32>, vector<128x32xf32>, vector<128x32xf32>, vector<128x32xf32>, vector<128x32xf32> -> vector<1024x32xf32>
    %get3A_78 = arith.constant 0 : index
    %get3A_79 = arith.constant 0 : index
    %get3A_80 = vector.load %arg3[%get3A_78, %get3A_79] : memref<1000x32xf32, #tpu.memory_space<vmem>>, vector<1000x32xf32>
    %dot_general3A = arith.constant dense<0.000000e+00> : vector<1000x1024xf32>
    %dot_general3A_81 = tpu.matmul %get3A_80, %concatenate3A_77, %dot_general3A {dimension_numbers = #tpu.dot_dimension_numbers<[1], [1], [0], [0], [0, 0, 1, 0], [], []>, transpose_lhs_hint = false} : vector<1000x32xf32>, vector<1024x32xf32>, vector<1000x1024xf32> -> vector<1000x1024xf32>
    %slice3A_82 = vector.extract_strided_slice %dot_general3A_81 {offsets = [0, 0], sizes = [1000, 128], strides = [1, 1]} : vector<1000x1024xf32> to vector<1000x128xf32>
    %get3A_83 = arith.constant 0 : index
    %get3A_84 = arith.constant 0 : index
    %get3A_85 = vector.load %arg4[%get3A_83, %get3A_84] : memref<1000x1xf32, #tpu.memory_space<vmem>>, vector<1000x1xf32>
    %add3A = vector.broadcast %get3A_85 : vector<1000x1xf32> to vector<1000x128xf32>
    %add3A_86 = arith.addf %slice3A_82, %add3A : vector<1000x128xf32>
    %swap3A = arith.constant 0 : index
    %swap3A_87 = arith.constant 0 : index
    %swap3A_88 = arith.constant 0 : index
    %swap3A_89 = vector.load %arg5[%swap3A, %swap3A_87, %swap3A_88] : memref<8x1000x128xf32, #tpu.memory_space<vmem>>, vector<1x1000x128xf32>
    %swap3A_90 = vector.shape_cast %swap3A_89 : vector<1x1000x128xf32> to vector<1000x128xf32>
    %swap3A_91 = vector.shape_cast %add3A_86 : vector<1000x128xf32> to vector<1x1000x128xf32>
    tpu.vector_store %arg5[%swap3A, %swap3A_87, %swap3A_88], %swap3A_91 {strides = array<i32>} : memref<8x1000x128xf32, #tpu.memory_space<vmem>>, vector<1x1000x128xf32>,
    %slice3A_92 = vector.extract_strided_slice %dot_general3A_81 {offsets = [0, 128], sizes = [1000, 128], strides = [1, 1]} : vector<1000x1024xf32> to vector<1000x128xf32>
    %get3A_93 = arith.constant 0 : index
    %get3A_94 = arith.constant 0 : index
    %get3A_95 = vector.load %arg4[%get3A_93, %get3A_94] : memref<1000x1xf32, #tpu.memory_space<vmem>>, vector<1000x1xf32>
    %add3A_96 = vector.broadcast %get3A_95 : vector<1000x1xf32> to vector<1000x128xf32>
    %add3A_97 = arith.addf %slice3A_92, %add3A_96 : vector<1000x128xf32>
    %swap3A_98 = arith.constant 1 : index
    %swap3A_99 = arith.constant 0 : index
    %swap3A_100 = arith.constant 0 : index
    %swap3A_101 = vector.load %arg5[%swap3A_98, %swap3A_99, %swap3A_100] : memref<8x1000x128xf32, #tpu.memory_space<vmem>>, vector<1x1000x128xf32>
    %swap3A_102 = vector.shape_cast %swap3A_101 : vector<1x1000x128xf32> to vector<1000x128xf32>
    %swap3A_103 = vector.shape_cast %add3A_97 : vector<1000x128xf32> to vector<1x1000x128xf32>
    tpu.vector_store %arg5[%swap3A_98, %swap3A_99, %swap3A_100], %swap3A_103 {strides = array<i32>} : memref<8x1000x128xf32, #tpu.memory_space<vmem>>, vector<1x1000x128xf32>,
    %slice3A_104 = vector.extract_strided_slice %dot_general3A_81 {offsets = [0, 256], sizes = [1000, 128], strides = [1, 1]} : vector<1000x1024xf32> to vector<1000x128xf32>
    %get3A_105 = arith.constant 0 : index
    %get3A_106 = arith.constant 0 : index
    %get3A_107 = vector.load %arg4[%get3A_105, %get3A_106] : memref<1000x1xf32, #tpu.memory_space<vmem>>, vector<1000x1xf32>
    %add3A_108 = vector.broadcast %get3A_107 : vector<1000x1xf32> to vector<1000x128xf32>
    %add3A_109 = arith.addf %slice3A_104, %add3A_108 : vector<1000x128xf32>
    %swap3A_110 = arith.constant 2 : index
    %swap3A_111 = arith.constant 0 : index
    %swap3A_112 = arith.constant 0 : index
    %swap3A_113 = vector.load %arg5[%swap3A_110, %swap3A_111, %swap3A_112] : memref<8x1000x128xf32, #tpu.memory_space<vmem>>, vector<1x1000x128xf32>
    %swap3A_114 = vector.shape_cast %swap3A_113 : vector<1x1000x128xf32> to vector<1000x128xf32>
    %swap3A_115 = vector.shape_cast %add3A_109 : vector<1000x128xf32> to vector<1x1000x128xf32>
    tpu.vector_store %arg5[%swap3A_110, %swap3A_111, %swap3A_112], %swap3A_115 {strides = array<i32>} : memref<8x1000x128xf32, #tpu.memory_space<vmem>>, vector<1x1000x128xf32>,
    %slice3A_116 = vector.extract_strided_slice %dot_general3A_81 {offsets = [0, 384], sizes = [1000, 128], strides = [1, 1]} : vector<1000x1024xf32> to vector<1000x128xf32>
    %get3A_117 = arith.constant 0 : index
    %get3A_118 = arith.constant 0 : index
    %get3A_119 = vector.load %arg4[%get3A_117, %get3A_118] : memref<1000x1xf32, #tpu.memory_space<vmem>>, vector<1000x1xf32>
    %add3A_120 = vector.broadcast %get3A_119 : vector<1000x1xf32> to vector<1000x128xf32>
    %add3A_121 = arith.addf %slice3A_116, %add3A_120 : vector<1000x128xf32>
    %swap3A_122 = arith.constant 3 : index
    %swap3A_123 = arith.constant 0 : index
    %swap3A_124 = arith.constant 0 : index
    %swap3A_125 = vector.load %arg5[%swap3A_122, %swap3A_123, %swap3A_124] : memref<8x1000x128xf32, #tpu.memory_space<vmem>>, vector<1x1000x128xf32>
    %swap3A_126 = vector.shape_cast %swap3A_125 : vector<1x1000x128xf32> to vector<1000x128xf32>
    %swap3A_127 = vector.shape_cast %add3A_121 : vector<1000x128xf32> to vector<1x1000x128xf32>
    tpu.vector_store %arg5[%swap3A_122, %swap3A_123, %swap3A_124], %swap3A_127 {strides = array<i32>} : memref<8x1000x128xf32, #tpu.memory_space<vmem>>, vector<1x1000x128xf32>,
    %slice3A_128 = vector.extract_strided_slice %dot_general3A_81 {offsets = [0, 512], sizes = [1000, 128], strides = [1, 1]} : vector<1000x1024xf32> to vector<1000x128xf32>
    %get3A_129 = arith.constant 0 : index
    %get3A_130 = arith.constant 0 : index
    %get3A_131 = vector.load %arg4[%get3A_129, %get3A_130] : memref<1000x1xf32, #tpu.memory_space<vmem>>, vector<1000x1xf32>
    %add3A_132 = vector.broadcast %get3A_131 : vector<1000x1xf32> to vector<1000x128xf32>
    %add3A_133 = arith.addf %slice3A_128, %add3A_132 : vector<1000x128xf32>
    %swap3A_134 = arith.constant 4 : index
    %swap3A_135 = arith.constant 0 : index
    %swap3A_136 = arith.constant 0 : index
    %swap3A_137 = vector.load %arg5[%swap3A_134, %swap3A_135, %swap3A_136] : memref<8x1000x128xf32, #tpu.memory_space<vmem>>, vector<1x1000x128xf32>
    %swap3A_138 = vector.shape_cast %swap3A_137 : vector<1x1000x128xf32> to vector<1000x128xf32>
    %swap3A_139 = vector.shape_cast %add3A_133 : vector<1000x128xf32> to vector<1x1000x128xf32>
    tpu.vector_store %arg5[%swap3A_134, %swap3A_135, %swap3A_136], %swap3A_139 {strides = array<i32>} : memref<8x1000x128xf32, #tpu.memory_space<vmem>>, vector<1x1000x128xf32>,
    %slice3A_140 = vector.extract_strided_slice %dot_general3A_81 {offsets = [0, 640], sizes = [1000, 128], strides = [1, 1]} : vector<1000x1024xf32> to vector<1000x128xf32>
    %get3A_141 = arith.constant 0 : index
    %get3A_142 = arith.constant 0 : index
    %get3A_143 = vector.load %arg4[%get3A_141, %get3A_142] : memref<1000x1xf32, #tpu.memory_space<vmem>>, vector<1000x1xf32>
    %add3A_144 = vector.broadcast %get3A_143 : vector<1000x1xf32> to vector<1000x128xf32>
    %add3A_145 = arith.addf %slice3A_140, %add3A_144 : vector<1000x128xf32>
    %swap3A_146 = arith.constant 5 : index
    %swap3A_147 = arith.constant 0 : index
    %swap3A_148 = arith.constant 0 : index
    %swap3A_149 = vector.load %arg5[%swap3A_146, %swap3A_147, %swap3A_148] : memref<8x1000x128xf32, #tpu.memory_space<vmem>>, vector<1x1000x128xf32>
    %swap3A_150 = vector.shape_cast %swap3A_149 : vector<1x1000x128xf32> to vector<1000x128xf32>
    %swap3A_151 = vector.shape_cast %add3A_145 : vector<1000x128xf32> to vector<1x1000x128xf32>
    tpu.vector_store %arg5[%swap3A_146, %swap3A_147, %swap3A_148], %swap3A_151 {strides = array<i32>} : memref<8x1000x128xf32, #tpu.memory_space<vmem>>, vector<1x1000x128xf32>,
    %slice3A_152 = vector.extract_strided_slice %dot_general3A_81 {offsets = [0, 768], sizes = [1000, 128], strides = [1, 1]} : vector<1000x1024xf32> to vector<1000x128xf32>
    %get3A_153 = arith.constant 0 : index
    %get3A_154 = arith.constant 0 : index
    %get3A_155 = vector.load %arg4[%get3A_153, %get3A_154] : memref<1000x1xf32, #tpu.memory_space<vmem>>, vector<1000x1xf32>
    %add3A_156 = vector.broadcast %get3A_155 : vector<1000x1xf32> to vector<1000x128xf32>
    %add3A_157 = arith.addf %slice3A_152, %add3A_156 : vector<1000x128xf32>
    %swap3A_158 = arith.constant 6 : index
    %swap3A_159 = arith.constant 0 : index
    %swap3A_160 = arith.constant 0 : index
    %swap3A_161 = vector.load %arg5[%swap3A_158, %swap3A_159, %swap3A_160] : memref<8x1000x128xf32, #tpu.memory_space<vmem>>, vector<1x1000x128xf32>
    %swap3A_162 = vector.shape_cast %swap3A_161 : vector<1x1000x128xf32> to vector<1000x128xf32>
    %swap3A_163 = vector.shape_cast %add3A_157 : vector<1000x128xf32> to vector<1x1000x128xf32>
    tpu.vector_store %arg5[%swap3A_158, %swap3A_159, %swap3A_160], %swap3A_163 {strides = array<i32>} : memref<8x1000x128xf32, #tpu.memory_space<vmem>>, vector<1x1000x128xf32>,
    %slice3A_164 = vector.extract_strided_slice %dot_general3A_81 {offsets = [0, 896], sizes = [1000, 128], strides = [1, 1]} : vector<1000x1024xf32> to vector<1000x128xf32>
    %get3A_165 = arith.constant 0 : index
    %get3A_166 = arith.constant 0 : index
    %get3A_167 = vector.load %arg4[%get3A_165, %get3A_166] : memref<1000x1xf32, #tpu.memory_space<vmem>>, vector<1000x1xf32>
    %add3A_168 = vector.broadcast %get3A_167 : vector<1000x1xf32> to vector<1000x128xf32>
    %add3A_169 = arith.addf %slice3A_164, %add3A_168 : vector<1000x128xf32>
    %swap3A_170 = arith.constant 7 : index
    %swap3A_171 = arith.constant 0 : index
    %swap3A_172 = arith.constant 0 : index
    %swap3A_173 = vector.load %arg5[%swap3A_170, %swap3A_171, %swap3A_172] : memref<8x1000x128xf32, #tpu.memory_space<vmem>>, vector<1x1000x128xf32>
    %swap3A_174 = vector.shape_cast %swap3A_173 : vector<1x1000x128xf32> to vector<1000x128xf32>
    %swap3A_175 = vector.shape_cast %add3A_169 : vector<1000x128xf32> to vector<1x1000x128xf32>
    tpu.vector_store %arg5[%swap3A_170, %swap3A_171, %swap3A_172], %swap3A_175 {strides = array<i32>} : memref<8x1000x128xf32, #tpu.memory_space<vmem>>, vector<1x1000x128xf32>,
    return
  }
  func.func @transform_0(%arg0: i32, %arg1: i32) -> (i32, i32, i32) {
    %c0_i32 = arith.constant 0 : i32
    %c0_i32_0 = arith.constant 0 : i32
    return %arg1, %arg0, %c0_i32 : i32, i32, i32
  }
  func.func @transform_1(%arg0: i32, %arg1: i32) -> (i32, i32) {
    %c0_i32 = arith.constant 0 : i32
    %c0_i32_0 = arith.constant 0 : i32
    %c0_i32_1 = arith.constant 0 : i32
    return %c0_i32, %c0_i32_0 : i32, i32
  }
  func.func @transform_2(%arg0: i32, %arg1: i32) -> (i32, i32) {
    %c0_i32 = arith.constant 0 : i32
    %c0_i32_0 = arith.constant 0 : i32
    %c0_i32_1 = arith.constant 0 : i32
    return %c0_i32, %c0_i32_0 : i32, i32
  }
  func.func @transform_3(%arg0: i32, %arg1: i32) -> (i32, i32, i32) {
    %c0_i32 = arith.constant 0 : i32
    %c0_i32_0 = arith.constant 0 : i32
    return %arg0, %c0_i32, %arg1 : i32, i32, i32
  }
}

</mosaic_0001>

<sc_bundles>
// kernel: gather_offload_async_start
scs
__scs_entry_jumppad:
0x0: {  	(pc) =	sbr.rel $0x88, $3  }
0x1: {  	(tag) =	ssettag $0x0;
	lr =	simm.s32 $0x1  }
0x2: {  	[smem:$0x3F99] =	sst lr;
	_ =	strace $0xD0000000  }
0x3: {  	_ = 	snop  }
0x4: {  	_ = 	snop  }
0x5: {  	_ = 	snop  }
0x6: {  	_ = 	snop  }
0x7: {  	_ = 	snop  }
__scs_overlays_trampoline_lowered:
0x8: {  	[smem:$0x3FA8] =	sst s0  }
0x9: {  	[smem:$0x3FA9] =	sst s1  }
0xa: {  	[smem:$0x3FAA] =	sst s2  }
0xb: {  	[smem:$0x3FAB] =	sst s3  }
0xc: {  	[smem:$0x3FAC] =	sst s4  }
0xd: {  	[smem:$0x3FAD] =	sst s5  }
0xe: {  	[smem:$0x3FAE] =	sst s6  }
0xf: {  	[smem:$0x3FAF] =	sst s7  }
0x10: {  	[smem:$0x3FB0] =	sst s8  }
0x11: {  	[smem:$0x3FB1] =	sst s9;
	s0 =	simm.s32 @!p0 $0x0  }
0x12: {  	s1 =	sld [smem:$0x3F97];
	s0 =	simm.s32 @p0 $0x1  }
0x13: {  	[smem:$0x3FB2] =	sst s0;
	s0 =	simm.s32 @!p1 $0x0  }
0x14: {  	s2 =	sld [smem:$0x3F96];
	s0 =	simm.s32 @p1 $0x1  }
0x15: {  	[smem:$0x3FB3] =	sst s0;
	s0 =	simm.s32 @!p2 $0x0  }
0x16: {  	s3 =	sld [smem:$0x3FDB];
	s0 =	simm.s32 @p2 $0x1  }
0x17: {  	s4 =	simm.s32 $0x1BF5;
	[smem:$0x3FB5] =	sst s0  }
0x18: {  	s0 =	sld [smem:$0x3F98];
	_ =	swait.ge [sflag:s4], $0x0  }
0x19: {  	s7 =	sld [smem:$0x3F99]  }
0x1a: {  	s8 =	sadd.s32 $0xFFFFE003, lr  }
0x1b: {  	s9 =	sadd.s32 $0xFFFFFEF7, lr;
	s5 =	simm.s32 $0xFFFFFFFF;
	p2 =	slt.u32 s8, $0xFFFFF086  }
0x1c: {  	p1 =	slt.u32 s9, $0xF7A;
	s5 =	simm.s32 @!p2 $0x0  }
0x1d: {  	s5 =	simm.s32 @p1 $0x1;
	p0 =	seq.s32 s7, s2  }
0x1e: {  	s7 =	smul.u32 @!p0 $0xF7A, s2;
	p2 =	seq.s32 @!p0 s5, $0x0  }
0x1f: {  	s9 =	smul.u32 $0xF7A, s1;
	s8 =	simm.s32 @!p0 $0x1BF5;
	p2 =	por !p2, p0  }
0x20: {  	[sflag:s8] =	ssyncset.s32 @!p0 $0xFFFFF086;
	s6 =	sadd.s32 @!p0 s3, s7;
	s7 =	simm.s32 @!p0 $0x108  }
0x21: {  	s3 =	sadd.s32 s3, s9;
	s6 =	sadd.s32 @!p0 $0x88, s6;
	s7 =	simm.s32 @p2 $0x1082  }
0x22: {  	[simem:s7], [sflag:s8] =	dma.local @!p0 [hbm:s6], $0xF7A  }
0x23: {  	s9 =	sor.u32 $0xD0000000, s2;
	s6 =	simm.s32 $0x108;
	_ =	swait.ge @!p0 [sflag:s8], $0x0  }
0x24: {  	s3 =	sadd.s32 $0x88, s3;
	s6 =	simm.s32 @!p1 $0x1082;
	[sflag:s4] =	ssyncset.s32 $0xFFFFF086  }
0x25: {  	[simem:s6], [sflag:s4] =	dma.local [hbm:s3], $0xF7A  }
0x26: {  	[smem:$0x3F99] =	sst s1;
	(tag) =	ssettag s2;
	_ =	strace s9  }
0x27: {  	s1 =	sld [smem:$0x3FA9]  }
0x28: {  	s2 =	sld [smem:$0x3FAA]  }
0x29: {  	s4 =	sld [smem:$0x3FAC]  }
0x2a: {  	p0 =	seq.s32 s5, $0x0;
	s5 =	sld [smem:$0x3FAD]  }
0x2b: {  	s6 =	sld [smem:$0x3FAE]  }
0x2c: {  	s7 =	sld [smem:$0x3FAF]  }
0x2d: {  	s3 =	simm.s32 $0x108;
	s8 =	sld [smem:$0x3FB0]  }
0x2e: {  	s3 =	simm.s32 @!p0 $0x1082;
	s9 =	sld [smem:$0x3FB1]  }
0x2f: {  	lr =	sadd.s32 s0, s3;
	s0 =	sld [smem:$0x3FA8]  }
0x30: {  	s3 =	sld [smem:$0x3FAB]  }
0x31: {  	[smem:$0x3FB4] =	sst s10  }
0x32: {  	s10 =	sld [smem:$0x3FB2];
	_ =	sdelay $0x3  }
0x33: {  	p0 =	seq.s32 s10, $0x1;
	s10 =	sld [smem:$0x3FB4];
	_ =	sdelay $0x3  }
0x34: {  	[smem:$0x3FB4] =	sst s10  }
0x35: {  	s10 =	sld [smem:$0x3FB3];
	_ =	sdelay $0x3  }
0x36: {  	p1 =	seq.s32 s10, $0x1;
	s10 =	sld [smem:$0x3FB4];
	_ =	sdelay $0x3  }
0x37: {  	[smem:$0x3FB4] =	sst s10  }
0x38: {  	s10 =	sld [smem:$0x3FB5]  }
0x39: {  	_ = 	snop;
	(pc) =	sbr.ind lr, $3  }
0x3a: {  	_ = 	snop  }
0x3b: {  	_ = 	snop  }
0x3c: {  	p2 =	seq.s32 s10, $0x1;
	s10 =	sld [smem:$0x3FB4]  }
0x3d: {  	_ =	shalt  }
0x3e: {  	_ =	shalt  }
0x3f: {  	_ =	shalt  }
0x40: {  	_ =	shalt  }
0x41: {  	_ =	shalt  }
0x42: {  	_ =	shalt  }
0x43: {  	_ =	shalt  }
0x44: {  	_ =	shalt  }
0x45: {  	_ =	shalt  }
0x46: {  	_ =	shalt  }
0x47: {  	_ =	shalt  }
0x48: {  	_ =	shalt  }
0x49: {  	_ =	shalt  }
0x4a: {  	_ =	shalt  }
0x4b: {  	_ =	shalt  }
0x4c: {  	_ =	shalt  }
0x4d: {  	_ =	shalt  }
0x4e: {  	_ =	shalt  }
0x4f: {  	_ =	shalt  }
0x50: {  	_ =	shalt  }
0x51: {  	_ =	shalt  }
0x52: {  	_ =	shalt  }
0x53: {  	_ =	shalt  }
0x54: {  	_ =	shalt  }
0x55: {  	_ =	shalt  }
0x56: {  	_ =	shalt  }
0x57: {  	_ =	shalt  }
0x58: {  	_ =	shalt  }
0x59: {  	_ =	shalt  }
0x5a: {  	_ =	shalt  }
0x5b: {  	_ =	shalt  }
0x5c: {  	_ =	shalt  }
0x5d: {  	_ =	shalt  }
0x5e: {  	_ =	shalt  }
0x5f: {  	_ =	shalt  }
0x60: {  	_ =	shalt  }
0x61: {  	_ =	shalt  }
0x62: {  	_ =	shalt  }
0x63: {  	_ =	shalt  }
0x64: {  	_ =	shalt  }
0x65: {  	_ =	shalt  }
0x66: {  	_ =	shalt  }
0x67: {  	_ =	shalt  }
0x68: {  	_ =	shalt  }
0x69: {  	_ =	shalt  }
0x6a: {  	_ =	shalt  }
0x6b: {  	_ =	shalt  }
0x6c: {  	_ =	shalt  }
0x6d: {  	_ =	shalt  }
0x6e: {  	_ =	shalt  }
0x6f: {  	_ =	shalt  }
0x70: {  	_ =	shalt  }
0x71: {  	_ =	shalt  }
0x72: {  	_ =	shalt  }
0x73: {  	_ =	shalt  }
0x74: {  	_ =	shalt  }
0x75: {  	_ =	shalt  }
0x76: {  	_ =	shalt  }
0x77: {  	_ =	shalt  }
0x78: {  	_ =	shalt  }
0x79: {  	_ =	shalt  }
0x7a: {  	_ =	shalt  }
0x7b: {  	_ =	shalt  }
0x7c: {  	_ =	shalt  }
0x7d: {  	_ =	shalt  }
0x7e: {  	_ =	shalt  }
0x7f: {  	_ =	shalt  }
0x80: {  	_ =	shalt  }
0x81: {  	_ =	shalt  }
0x82: {  	_ =	shalt  }
0x83: {  	_ =	shalt  }
0x84: {  	_ =	shalt  }
0x85: {  	_ =	shalt  }
0x86: {  	_ =	shalt  }
0x87: {  	_ =	shalt  }
.Lfunc_end0:
.L_simem_size_0:
called_computation_lowered:
.L_overlay_start_0:
0x88: {  	s2 =	sld [smem:$0x3FD9]  }
0x89: {  	s3 =	sld [smem:$0x3FFE];
	_ =	sdelay $0x1  }
0x8a: {  	s1 =	srdreg.scid  }
0x8b: {  	s0 =	sand.u32 $0x1, s1  }
0x8c: {  	s16 =	sshll.u32 s0, $0xA;
	s2 =	sadd.s32 s3, s2  }
0x8d: {  	s2 =	sadd.s32 s2, s16  }
0x8e: {  	[smem:$0x3FC0] =	sst s2  }
0x8f: {  	_ = 	snop  }
0x90: {  	(tm) =	ssettm $0x1  }
0x91: {  	s17 =	sld [smem:$0x3FFB];
	_ =	sdelay $0x3  }
0x92: {  	_ =	strace s17  }
0x93: {  	s2 =	sld [smem:$0x3FFC];
	_ =	sdelay $0x3  }
0x94: {  	_ =	strace s2  }
0x95: {  	s2 =	sld [smem:$0x3FFD];
	_ =	sdelay $0x3  }
0x96: {  	_ =	strace s2  }
0x97: {  	_ =	strace $0x8FFFFFFF  }
0x98: {  	s18 =	sld [smem:$0x3FDB];
	_ =	sdelay $0x1  }
0x99: {  	s19 =	simm.s32 $_scs_section_size  }
0x9a: {  	s4 =	simm.s32 $_size__tile_overlayer_lowered;
	s5 =	simm.s32 $_tile_overlayer_lowered  }
0x9b: {  	s22 =	simm.s32 $0x1BFF;
	s21 =	sshll.u32 s5, $0x1;
	s2 =	sadd.s32 s19, s18  }
0x9c: {  	s6 =	simm.s32 $0x0;
	s20 =	sshll.u32 s4, $0x1;
	s4 =	sadd.s32 s21, s2  }
0x9d: {  	[timem:s6], [sflag:s22] =	dma.local [hbm:s4], s20  }
0x9e: {  	_ =	swait.ge [sflag:s22], s20  }
0x9f: {  	s3 =	ssub.s32 $0x0, s20;
	[sflag:s22] =	ssyncset.done $0x0  }
0xa0: {  	[sflag:s22] =	ssyncadd.s32 s3;
	_ =	sdelay $0x1  }
0xa1: {  	s23 =	simm.s32 $0x1B8B  }
0xa2: {  	_ =	swait.ge [sflag:s23], $0x1  }
0xa3: {  	[sflag:s23] =	ssyncset.done $0x0  }
0xa4: {  	s25 =	simm.s32 $0x1B8E;
	s24 =	sld [smem:$0x3FFE];
	[sflag:s23] =	ssyncadd.s32 $0xFFFFFFFF  }
0xa5: {  	s26 =	simm.s32 $execute0_lowered;
	[smem:$0x3FD2] =	sst s25  }
0xa6: {  	s4 =	sshll.u32 s26, $0x1;
	_ =	strace $0x80000046;
	[dreg:$0x1] =	wrdreg $0xFFFFFFFF  }
0xa7: {  	s28 =	simm.s32 $_size_execute0_lowered;
	s2 =	sadd.s32 s2, s4;
	[dreg:$0x0] =	wrdreg $0x0  }
0xa8: {  	s4 =	sshll.u32 s28, $0x1;
	[dreg:$0x2] =	wrdreg s2  }
0xa9: {  	[dreg:$0x3] =	wrdreg s4  }
0xaa: {  	[dreg:$0x4] =	wrdreg $0xC0  }
0xab: {  	_ =	task [dreg:s6], $0x5FFFF  }
0xac: {  	[dreg:$0x1] =	wrdreg $0xFFFFFFFF  }
0xad: {  	[dreg:$0x0] =	wrdreg $0x60  }
0xae: {  	[dreg:$0x2] =	wrdreg s24  }
0xaf: {  	[dreg:$0x3] =	wrdreg $0x9  }
0xb0: {  	_ =	task.clear_ibuf [dreg:s6], $0x4FFFF;
	_ =	strace $0x90000046  }
0xb1: {  	s29 =	simm.s32 $0x9;
	_ =	strace $0x80000048  }
0xb2: {  	_ =	swait.ge [sflag:s29], $0x1  }
0xb3: {  	[sflag:s29] =	ssyncadd.s32 $0xFFFFFFFF  }
0xb4: {  	_ =	strace $0x90000048  }
0xb5: {  	_ =	sfence  }
0xb6: {  	s30 =	sld [smem:$0x0];
	_ =	sdelay $0x2  }
0xb7: {  	s31 =	sshll.u32 s1, $0xD;
	s1 =	sshrl.u32 s1, $0x2  }
0xb8: {  	s3 =	sand.u32 $0x4000, s31;
	s1 =	sadd.s32 s1, s30  }
0xb9: {  	s0 =	sor.u32 s3, s0;
	s1 =	sshll.u32 s1, $0x11  }
0xba: {  	s0 =	sor.u32 s1, s0  }
0xbb: {  	s0 =	sadd.s32 $0x8F2B, s0  }
0xbc: {  	[sflag:s0] =	ssyncadd.remote.s32 $0x1  }
0xbd: {  	_ =	sfence.sel $0xFFFF  }
0xbe: {  	[dreg:$0x0] =	wrdreg $0xFFFFFFFF;
	(pc) =	sbr.abs _section_cstart, $3  }
0xbf: {  	[dreg:$0x1] =	wrdreg $0xFFFFFFFF  }
0xc0: {  	_ =	task.clear_ibuf [dreg:s6], $0x2FFFF;
	_ =	strace $0x9FFFFFFF  }
0xc1: {  	(tm) =	ssettm $0x7FFFFFFF  }
tec
execute0_lowered:
.L_overlay_start_1:
0x0: {  	(tag) =	ssettag $0x1  }
0x1: {  	s0 =	srdreg.scid;
	s5 =	rddreg [dreg:$0x0]  }
0x2: {  	s1 =	stileid.u32;
	s6 =	simm.s32 $0x1;
	s9 =	simm.s32 $0x1  }
0x3: {  	s10 =	simm.s32 $0x3;
	s13 =	simm.s32 $0x0;
	s2 =	sshll.u32 s0, $0xA  }
0x4: {  	s12 =	simm.s32 $0x0;
	s3 =	sshll.u32 s1, $0xB;
	s2 =	sand.u32 $0x400, s2  }
0x5: {  	s0 =	rddreg [dreg:$0x1];
	_ =	strace $0x80000047;
	s2 =	sor.u32 s3, s2  }
0x6: {  	s4 =	sadd.s32 $0x1400, s5;
	[sflag:s6] =	ssyncpa.u1 $0x0;
	s8 =	ssub.s32 $0xE000, s2  }
.Ltmp0:
0x7: {  	s3 =	sadd.s32 $0x3000, s5;
	s7 =	sand.u32 $0x7C00, s8;
	(pc) =	sbr.rel .LBB2_1-.Ltmp0, $4  }
0x8: {  	s5 =	sadd.s32 $0x4C00, s5;
	s11 =	smov.u32 s2;
	p0 =	sne.s32 s7, $0x0  }
0x9: {  	s8 =	sshrl.u32 s8, $0xF;
	s7 =	simm.s32 $0x2;
	s9 =	simm.s32 @!p0 $0x0  }
0xa: {  	[sflag:s7] =	ssyncpa.u1 $0x0;
	p0 =	por $0x0, $0x0;
	s8 =	sadd.s32 s9, s8  }
0xb: {  	vm0 =	vmmov $0xffff;
	[sflag:s10] =	ssyncpa.u1 $0x0;
	s10 =	simm.s32 $0x0;
	s9 =	sadd.s32 $0x1, s8  }
.LBB2_4:
0xc: {  	v2 =	vnsel vm1, $0x0, v2  }
0xd: {  	vm1 =	vgt.s32 v0, $0x0;
	v2 =	vmin.u32 v2, $0xDFFF  }
0xe: {  	v0 =	vnsel vm1, $0x0, v0  }
0xf: {  	v0 =	vmin.u32 v0, $0xDFFF  }
0x10: {  	[tilespmem:s15], [sflag:$0x1] =	stream.indirect_vreg.gather [hbm4b:s3+s10], $0x1, v1, vm0, $0x4038;
	[tilespmem:$0x1000] =	vst v63  }
0x11: {  	(ifvalue) =	ssetifvalue $0x7FFFFFFF  }
0x12: {  	[tilespmem:s16], [sflag:$0x1] =	stream.indirect_vreg.gather [hbm4b:s3+s10], $0x1, v2, vm0, $0x4038;
	[tilespmem:$0x1000] =	vst v63  }
0x13: {  	s29 =	sadd.s32 $0x10, s16;
	(ifvalue) =	ssetifvalue $0x7FFFFFFF  }
0x14: {  	[tilespmem:s29], [sflag:$0x1] =	stream.indirect_vreg.gather [hbm4b:s3+s10], $0x1, v0, vm0, $0x4038;
	[tilespmem:$0x1000] =	vst v63  }
0x15: {  	_ =	swait.ge [sflag:s6], $0x400  }
0x16: {  	s30 =	sshrl.u32 s13, $0x3;
	[sflag:s6] =	ssyncset.done $0x0  }
0x17: {  	s31 =	sand.u32 $0x7, s13;
	s15 =	sadd.s32 s5, s30;
	[sflag:s6] =	ssyncadd.s32 $0xFFFFFC00  }
0x18: {  	[hbm4b:s15+s31] =	stream.linear.scatter [tilespmem:s14], [sflag:$0x3], $0x400, $0x38;
	[tilespmem:$0x1000] =	vst v63  }
.LBB2_5:
0x19: {  	s15 =	sadd.s32 $0x8000, s11  }
0x1a: {  	p2 =	sgt.s32 s15, $0xDFFF  }
0x1b: {  	s15 =	smov.u32 @p2 s2;
	p2 =	sne.s32 s12, s9  }
.Ltmp1:
0x1c: {  	p1 =	slt.u32 s12, $0x2;
	(pc) =	sbr.rel @!p2 .LBB2_6-.Ltmp1, $4  }
0x1d: {  	s14 =	simm.s32 @!p1 $0x3  }
0x1e: {  	s16 =	sadd.s32 $0x1, s12;
	_ =	swait.ge @!p1 [sflag:s14], $0x400  }
0x1f: {  	s13 =	smov.u32 s11;
	p0 =	por !p0, !p0;
	[sflag:s14] =	ssyncset.done @!p1 $0x0  }
0x20: {  	s12 =	smov.u32 s16;
	s11 =	smov.u32 s15;
	[sflag:s14] =	ssyncadd.s32 @!p1 $0xFFFFFC00  }
.LBB2_1:
0x21: {  	p1 =	sge.u32 s12, s8  }
0x22: {  	s14 =	sxor.u32 @!p1 $0xFFFFFFFF, s12  }
0x23: {  	s31 =	sadd.s32 $0xFFFFFFFF, s12;
	s15 =	sshrl.u32 @!p1 s11, $0x3;
	s14 =	sshll.u32 @!p1 s14, $0xA  }
0x24: {  	s16 =	sand.u32 @!p1 $0x7, s11;
	s15 =	sadd.s32 @!p1 s4, s15;
	s14 =	sand.u32 @!p1 $0x400, s14  }
0x25: {  	[tilespmem:s14], [sflag:$0x2] =	stream.linear.gather @!p1 [hbm4b:s15+s16], $0x400, $0x38;
	[tilespmem:$0x1000] =	vst v63  }
0x26: {  	p1 =	sge.u32 s31, s8  }
.Ltmp2:
0x27: {  	_ = 	snop;
	(pc) =	sbr.rel @p1 .LBB2_5-.Ltmp2, $1  }
0x28: {  	_ =	sdelay $0x3  }
0x29: {  	s14 =	simm.s32 $0x1  }
0x2a: {  	_ =	swait.ge [sflag:s7], $0x400;
	s14 =	simm.s32 @!p0 $0x0  }
0x2b: {  	[sflag:s7] =	ssyncset.done $0x0;
	s14 =	sshll.u32 s14, $0xA  }
0x2c: {  	[sflag:s7] =	ssyncadd.s32 $0xFFFFFC00;
	(ifvalue) =	ssetifvalue $0x7FFFFFFF;
	v0 =	vld.msk [tilespmem:s14+$0x0 ss:$0x1], $0xffff;
	_ =	sdelay $0x4  }
0x2d: {  	s15 =	sadd.s32 $0x10, s14;
	vm1 =	vgt.s32 v0, $0x0  }
0x2e: {  	v2 =	vld.msk [tilespmem:s15+$0x0 ss:$0x1], $0xffff;
	v1 =	vnsel vm1, $0x0, v0  }
0x2f: {  	v1 =	vmin.u32 v1, $0xDFFF;
	_ =	sdelay $0x1  }
0x30: {  	s16 =	sshll.u32 s12, $0xA;
	s18 =	simm.s32 $0x20  }
0x31: {  	s16 =	sand.u32 $0x400, s16;
	s17 =	sadd.s32 $0x10, s15;
	s15 =	sor.u32 $0x800, s14  }
0x32: {  	s14 =	sor.u32 $0x800, s16;
	s16 =	sadd.s32 $0x10, s15;
	v0 =	vld.msk [tilespmem:s17+$0x0 ss:$0x1], $0xffff;
	vm1 =	vgt.s32 v2, $0x0;
	(ifvalue) =	ssetifvalue $0x7FFFFFFF  }
.LBB2_3:
0x33: {  	[tilespmem:s15], [sflag:$0x1] =	stream.indirect_vreg.gather [hbm4b:s3+s10], $0x1, v1, vm0, $0x4038;
	[tilespmem:$0x1000] =	vst v63  }
0x34: {  	s18 =	sadd.s32 $0x10, s18  }
0x35: {  	v2 =	vnsel vm1, $0x0, v2;
	p1 =	slt.u32 s18, $0x3F0  }
.Ltmp3:
0x36: {  	s15 =	smov.u32 s16;
	v1 =	vmin.u32 v2, $0xDFFF;
	(pc) =	sbr.rel @p1 .LBB2_3-.Ltmp3, $3  }
0x37: {  	_ =	sdelay $0x1  }
0x38: {  	s17 =	sadd.s32 $0x10, s17  }
0x39: {  	vm1 =	vgt.s32 v0, $0x0;
	s16 =	sadd.s32 $0x10, s16;
	v2 =	vmov v0;
	(ifvalue) =	ssetifvalue $0x7FFFFFFF;
	v0 =	vld.msk [tilespmem:s17+$0x0 ss:$0x1], $0xffff  }
.Ltmp4:
0x3a: {  	_ = 	snop;
	(pc) =	sbr.rel .LBB2_4-.Ltmp4, $1  }
0x3b: {  	_ =	sdelay $0x3  }
.LBB2_6:
0x3c: {  	_ =	sfence.sel $0x180000  }
0x3d: {  	s2 =	simm.s32 $0x2;
	[bflag:$0x0] =	sbarrier.arrive $0xFFFF  }
0x3e: {  	s30 =	simm.s32 $0x3;
	[sflag:s2] =	ssyncpa.u1 $0x1  }
0x3f: {  	s31 =	simm.s32 $0x1;
	[sflag:s30] =	ssyncpa.u1 $0x1  }
0x40: {  	[sflag:s31] =	ssyncpa.u1 $0x1  }
0x41: {  	p0 =	sne.s32 s1, $0x0;
	_ =	strace $0x90000047  }
0x42: {  	s0 =	sadd.s32 @!p0 $0x100000, s0;
	[bflag:$0x2] =	sbarrier.arrive $0xFFFF  }
0x43: {  	[sflag:s0] =	ssyncadd.tile.s32 @!p0 $0x1;
	_ =	shalt  }
.Lfunc_end2:
_tile_overlayer_lowered:
.L_overlay_start_2:
0x44: {  	(tag) =	ssettag $0x2  }
0x45: {  	s0 =	rddreg [dreg:$0x0];
	s2 =	stileid.u32  }
0x46: {  	s1 =	rddreg [dreg:$0x1];
	p0 =	sne.s32 s2, $0x0  }
0x47: {  	s3 =	rddreg [dreg:$0x2];
	[bflag:$0x3] =	sbarrier.arrive $0xFFFF;
	s2 =	simm.s32 @!p0 $0x1C01  }
0x48: {  	[timem:s3], [sflag:s2] =	dma.local @!p0 [hbm:s0], s1  }
0x49: {  	s0 =	simm.s32 @!p0 $0x1  }
0x4a: {  	_ =	swait.ge @!p0 [sflag:s0], s1  }
0x4b: {  	s1 =	ssub.s32 @!p0 $0x0, s1;
	[sflag:s0] =	ssyncset.done @!p0 $0x0  }
0x4c: {  	[sflag:s0] =	ssyncadd.s32 @!p0 s1  }
0x4d: {  	[bflag:$0x3] =	sbarrier.arrive $0xFFFF  }
0x4e: {  	_ =	shalt  }

// kernel: kernel.5.cloned.1.call-start
scs
__scs_entry_jumppad:
0x0: {  	(pc) =	sbr.rel $0x88, $3  }
0x1: {  	(tag) =	ssettag $0x0;
	lr =	simm.s32 $0x1  }
0x2: {  	[smem:$0x3F99] =	sst lr;
	_ =	strace $0xD0000000  }
0x3: {  	_ = 	snop  }
0x4: {  	_ = 	snop  }
0x5: {  	_ = 	snop  }
0x6: {  	_ = 	snop  }
0x7: {  	_ = 	snop  }
__scs_overlays_trampoline_lowered:
0x8: {  	[smem:$0x3FA8] =	sst s0  }
0x9: {  	[smem:$0x3FA9] =	sst s1  }
0xa: {  	[smem:$0x3FAA] =	sst s2  }
0xb: {  	[smem:$0x3FAB] =	sst s3  }
0xc: {  	[smem:$0x3FAC] =	sst s4  }
0xd: {  	[smem:$0x3FAD] =	sst s5  }
0xe: {  	[smem:$0x3FAE] =	sst s6  }
0xf: {  	[smem:$0x3FAF] =	sst s7  }
0x10: {  	[smem:$0x3FB0] =	sst s8  }
0x11: {  	[smem:$0x3FB1] =	sst s9;
	s0 =	simm.s32 @!p0 $0x0  }
0x12: {  	s1 =	sld [smem:$0x3F97];
	s0 =	simm.s32 @p0 $0x1  }
0x13: {  	[smem:$0x3FB2] =	sst s0;
	s0 =	simm.s32 @!p1 $0x0  }
0x14: {  	s2 =	sld [smem:$0x3F96];
	s0 =	simm.s32 @p1 $0x1  }
0x15: {  	[smem:$0x3FB3] =	sst s0;
	s0 =	simm.s32 @!p2 $0x0  }
0x16: {  	s3 =	sld [smem:$0x3FDB];
	s0 =	simm.s32 @p2 $0x1  }
0x17: {  	s4 =	simm.s32 $0x1BF5;
	[smem:$0x3FB5] =	sst s0  }
0x18: {  	s0 =	sld [smem:$0x3F98];
	_ =	swait.ge [sflag:s4], $0x0  }
0x19: {  	s7 =	sld [smem:$0x3F99]  }
0x1a: {  	s8 =	sadd.s32 $0xFFFFE003, lr  }
0x1b: {  	s9 =	sadd.s32 $0xFFFFFEF7, lr;
	s5 =	simm.s32 $0xFFFFFFFF;
	p2 =	slt.u32 s8, $0xFFFFF086  }
0x1c: {  	p1 =	slt.u32 s9, $0xF7A;
	s5 =	simm.s32 @!p2 $0x0  }
0x1d: {  	s5 =	simm.s32 @p1 $0x1;
	p0 =	seq.s32 s7, s2  }
0x1e: {  	s7 =	smul.u32 @!p0 $0xF7A, s2;
	p2 =	seq.s32 @!p0 s5, $0x0  }
0x1f: {  	s9 =	smul.u32 $0xF7A, s1;
	s8 =	simm.s32 @!p0 $0x1BF5;
	p2 =	por !p2, p0  }
0x20: {  	[sflag:s8] =	ssyncset.s32 @!p0 $0xFFFFF086;
	s6 =	sadd.s32 @!p0 s3, s7;
	s7 =	simm.s32 @!p0 $0x108  }
0x21: {  	s3 =	sadd.s32 s3, s9;
	s6 =	sadd.s32 @!p0 $0x88, s6;
	s7 =	simm.s32 @p2 $0x1082  }
0x22: {  	[simem:s7], [sflag:s8] =	dma.local @!p0 [hbm:s6], $0xF7A  }
0x23: {  	s9 =	sor.u32 $0xD0000000, s2;
	s6 =	simm.s32 $0x108;
	_ =	swait.ge @!p0 [sflag:s8], $0x0  }
0x24: {  	s3 =	sadd.s32 $0x88, s3;
	s6 =	simm.s32 @!p1 $0x1082;
	[sflag:s4] =	ssyncset.s32 $0xFFFFF086  }
0x25: {  	[simem:s6], [sflag:s4] =	dma.local [hbm:s3], $0xF7A  }
0x26: {  	[smem:$0x3F99] =	sst s1;
	(tag) =	ssettag s2;
	_ =	strace s9  }
0x27: {  	s1 =	sld [smem:$0x3FA9]  }
0x28: {  	s2 =	sld [smem:$0x3FAA]  }
0x29: {  	s4 =	sld [smem:$0x3FAC]  }
0x2a: {  	p0 =	seq.s32 s5, $0x0;
	s5 =	sld [smem:$0x3FAD]  }
0x2b: {  	s6 =	sld [smem:$0x3FAE]  }
0x2c: {  	s7 =	sld [smem:$0x3FAF]  }
0x2d: {  	s3 =	simm.s32 $0x108;
	s8 =	sld [smem:$0x3FB0]  }
0x2e: {  	s3 =	simm.s32 @!p0 $0x1082;
	s9 =	sld [smem:$0x3FB1]  }
0x2f: {  	lr =	sadd.s32 s0, s3;
	s0 =	sld [smem:$0x3FA8]  }
0x30: {  	s3 =	sld [smem:$0x3FAB]  }
0x31: {  	[smem:$0x3FB4] =	sst s10  }
0x32: {  	s10 =	sld [smem:$0x3FB2];
	_ =	sdelay $0x3  }
0x33: {  	p0 =	seq.s32 s10, $0x1;
	s10 =	sld [smem:$0x3FB4];
	_ =	sdelay $0x3  }
0x34: {  	[smem:$0x3FB4] =	sst s10  }
0x35: {  	s10 =	sld [smem:$0x3FB3];
	_ =	sdelay $0x3  }
0x36: {  	p1 =	seq.s32 s10, $0x1;
	s10 =	sld [smem:$0x3FB4];
	_ =	sdelay $0x3  }
0x37: {  	[smem:$0x3FB4] =	sst s10  }
0x38: {  	s10 =	sld [smem:$0x3FB5]  }
0x39: {  	_ = 	snop;
	(pc) =	sbr.ind lr, $3  }
0x3a: {  	_ = 	snop  }
0x3b: {  	_ = 	snop  }
0x3c: {  	p2 =	seq.s32 s10, $0x1;
	s10 =	sld [smem:$0x3FB4]  }
0x3d: {  	_ =	shalt  }
0x3e: {  	_ =	shalt  }
0x3f: {  	_ =	shalt  }
0x40: {  	_ =	shalt  }
0x41: {  	_ =	shalt  }
0x42: {  	_ =	shalt  }
0x43: {  	_ =	shalt  }
0x44: {  	_ =	shalt  }
0x45: {  	_ =	shalt  }
0x46: {  	_ =	shalt  }
0x47: {  	_ =	shalt  }
0x48: {  	_ =	shalt  }
0x49: {  	_ =	shalt  }
0x4a: {  	_ =	shalt  }
0x4b: {  	_ =	shalt  }
0x4c: {  	_ =	shalt  }
0x4d: {  	_ =	shalt  }
0x4e: {  	_ =	shalt  }
0x4f: {  	_ =	shalt  }
0x50: {  	_ =	shalt  }
0x51: {  	_ =	shalt  }
0x52: {  	_ =	shalt  }
0x53: {  	_ =	shalt  }
0x54: {  	_ =	shalt  }
0x55: {  	_ =	shalt  }
0x56: {  	_ =	shalt  }
0x57: {  	_ =	shalt  }
0x58: {  	_ =	shalt  }
0x59: {  	_ =	shalt  }
0x5a: {  	_ =	shalt  }
0x5b: {  	_ =	shalt  }
0x5c: {  	_ =	shalt  }
0x5d: {  	_ =	shalt  }
0x5e: {  	_ =	shalt  }
0x5f: {  	_ =	shalt  }
0x60: {  	_ =	shalt  }
0x61: {  	_ =	shalt  }
0x62: {  	_ =	shalt  }
0x63: {  	_ =	shalt  }
0x64: {  	_ =	shalt  }
0x65: {  	_ =	shalt  }
0x66: {  	_ =	shalt  }
0x67: {  	_ =	shalt  }
0x68: {  	_ =	shalt  }
0x69: {  	_ =	shalt  }
0x6a: {  	_ =	shalt  }
0x6b: {  	_ =	shalt  }
0x6c: {  	_ =	shalt  }
0x6d: {  	_ =	shalt  }
0x6e: {  	_ =	shalt  }
0x6f: {  	_ =	shalt  }
0x70: {  	_ =	shalt  }
0x71: {  	_ =	shalt  }
0x72: {  	_ =	shalt  }
0x73: {  	_ =	shalt  }
0x74: {  	_ =	shalt  }
0x75: {  	_ =	shalt  }
0x76: {  	_ =	shalt  }
0x77: {  	_ =	shalt  }
0x78: {  	_ =	shalt  }
0x79: {  	_ =	shalt  }
0x7a: {  	_ =	shalt  }
0x7b: {  	_ =	shalt  }
0x7c: {  	_ =	shalt  }
0x7d: {  	_ =	shalt  }
0x7e: {  	_ =	shalt  }
0x7f: {  	_ =	shalt  }
0x80: {  	_ =	shalt  }
0x81: {  	_ =	shalt  }
0x82: {  	_ =	shalt  }
0x83: {  	_ =	shalt  }
0x84: {  	_ =	shalt  }
0x85: {  	_ =	shalt  }
0x86: {  	_ =	shalt  }
0x87: {  	_ =	shalt  }
.Lfunc_end0:
.L_simem_size_0:
called_computation.1_lowered:
.L_overlay_start_0:
0x88: {  	s2 =	sld [smem:$0x3FD9]  }
0x89: {  	s3 =	sld [smem:$0x3FFE];
	_ =	sdelay $0x1  }
0x8a: {  	s1 =	srdreg.scid  }
0x8b: {  	s0 =	sand.u32 $0x1, s1  }
0x8c: {  	s17 =	sshll.u32 s0, $0xA;
	s2 =	sadd.s32 s3, s2  }
0x8d: {  	s2 =	sadd.s32 s2, s17  }
0x8e: {  	[smem:$0x3FC0] =	sst s2  }
0x8f: {  	_ = 	snop  }
0x90: {  	s2 =	sld [smem:$0x3FD0];
	(tm) =	ssettm $0x1  }
0x91: {  	s18 =	sld [smem:$0x3FFB];
	_ =	sdelay $0x3  }
0x92: {  	_ =	strace s18  }
0x93: {  	s3 =	sld [smem:$0x3FFC];
	_ =	sdelay $0x3  }
0x94: {  	_ =	strace s3  }
0x95: {  	s3 =	sld [smem:$0x3FFD];
	_ =	sdelay $0x3  }
0x96: {  	_ =	strace s3  }
0x97: {  	_ =	strace $0x8FFFFFFF  }
0x98: {  	s19 =	sld [smem:$0x3FDB];
	_ =	sdelay $0x1  }
0x99: {  	s4 =	simm.s32 $_scs_section_size  }
0x9a: {  	s5 =	simm.s32 $_size__tile_overlayer_lowered;
	s6 =	simm.s32 $_tile_overlayer_lowered  }
0x9b: {  	s22 =	simm.s32 $0x1BFF;
	s21 =	sshll.u32 s6, $0x1;
	s3 =	sadd.s32 s4, s19  }
0x9c: {  	s7 =	simm.s32 $0x0;
	s20 =	sshll.u32 s5, $0x1;
	s5 =	sadd.s32 s21, s3  }
0x9d: {  	[timem:s7], [sflag:s22] =	dma.local [hbm:s5], s20  }
0x9e: {  	_ =	swait.ge [sflag:s22], s20  }
0x9f: {  	s4 =	ssub.s32 $0x0, s20;
	[sflag:s22] =	ssyncset.done $0x0  }
0xa0: {  	[sflag:s22] =	ssyncadd.s32 s4;
	_ =	sdelay $0x1  }
0xa1: {  	s23 =	simm.s32 $0x1B8B  }
0xa2: {  	_ =	swait.ge [sflag:s23], $0x1  }
0xa3: {  	[sflag:s23] =	ssyncset.done $0x0  }
0xa4: {  	s25 =	simm.s32 $0x1B8E;
	s24 =	sld [smem:$0x3FFE];
	[sflag:s23] =	ssyncadd.s32 $0xFFFFFFFF  }
0xa5: {  	s26 =	simm.s32 $execute0_lowered;
	[smem:$0x3FD2] =	sst s25  }
0xa6: {  	s5 =	sshll.u32 s26, $0x1;
	_ =	strace $0x80000049;
	[dreg:$0x1] =	wrdreg $0xFFFFFFFF  }
0xa7: {  	s28 =	simm.s32 $_size_execute0_lowered;
	s3 =	sadd.s32 s3, s5;
	[dreg:$0x0] =	wrdreg $0x0  }
0xa8: {  	s5 =	sshll.u32 s28, $0x1;
	[dreg:$0x2] =	wrdreg s3  }
0xa9: {  	[dreg:$0x3] =	wrdreg s5  }
0xaa: {  	[dreg:$0x4] =	wrdreg $0xC0  }
0xab: {  	_ =	task [dreg:s7], $0x5FFFF  }
0xac: {  	[dreg:$0x1] =	wrdreg $0xFFFFFFFF  }
0xad: {  	[dreg:$0x0] =	wrdreg $0x60  }
0xae: {  	[dreg:$0x2] =	wrdreg s24  }
0xaf: {  	[dreg:$0x3] =	wrdreg s2  }
0xb0: {  	[dreg:$0x4] =	wrdreg $0x9  }
0xb1: {  	_ =	task.clear_ibuf [dreg:s7], $0x5FFFF;
	_ =	strace $0x90000049  }
0xb2: {  	s29 =	simm.s32 $0x9;
	_ =	strace $0x8000004B  }
0xb3: {  	_ =	swait.ge [sflag:s29], $0x1  }
0xb4: {  	[sflag:s29] =	ssyncadd.s32 $0xFFFFFFFF  }
0xb5: {  	_ =	strace $0x9000004B  }
0xb6: {  	_ =	sfence  }
0xb7: {  	s30 =	sld [smem:$0x0];
	_ =	sdelay $0x2  }
0xb8: {  	s31 =	sshll.u32 s1, $0xD;
	s1 =	sshrl.u32 s1, $0x2  }
0xb9: {  	s3 =	sand.u32 $0x4000, s31;
	s1 =	sadd.s32 s1, s30  }
0xba: {  	s0 =	sor.u32 s3, s0;
	s1 =	sshll.u32 s1, $0x11  }
0xbb: {  	s0 =	sor.u32 s1, s0  }
0xbc: {  	s0 =	sadd.s32 $0x8F2B, s0  }
0xbd: {  	[sflag:s0] =	ssyncadd.remote.s32 $0x1  }
0xbe: {  	_ =	sfence.sel $0xFFFF  }
0xbf: {  	[dreg:$0x0] =	wrdreg $0xFFFFFFFF;
	(pc) =	sbr.abs _section_cstart, $3  }
0xc0: {  	[dreg:$0x1] =	wrdreg $0xFFFFFFFF  }
0xc1: {  	_ =	task.clear_ibuf [dreg:s7], $0x2FFFF;
	_ =	strace $0x9FFFFFFF  }
0xc2: {  	(tm) =	ssettm $0x7FFFFFFF  }
0xc3: {  	_ =	shalt  }
tec
execute0_lowered:
.L_overlay_start_1:
0x0: {  	(tag) =	ssettag $0x1  }
0x1: {  	s0 =	rddreg [dreg:$0x0];
	s1 =	srdreg.scid  }
0x2: {  	s2 =	stileid.u32;
	s5 =	rddreg [dreg:$0x1]  }
0x3: {  	s7 =	simm.s32 $0x2;
	s8 =	simm.s32 $0x70;
	s21 =	simm.s32 $0x310  }
0x4: {  	s22 =	simm.s32 $0x6900;
	s23 =	simm.s32 $0x380;
	s24 =	simm.s32 $0x7700  }
0x5: {  	s25 =	simm.s32 $0x3F0;
	s28 =	simm.s32 $0x460;
	s29 =	simm.s32 $0x9300  }
0x6: {  	s30 =	simm.s32 $0x4D0;
	s31 =	simm.s32 $0xA100;
	s9 =	simm.s32 $0x5B0  }
0x7: {  	s10 =	simm.s32 $0xBD00;
	s11 =	simm.s32 $0x620;
	s12 =	simm.s32 $0xCB00  }
0x8: {  	s13 =	simm.s32 $0x690;
	s14 =	simm.s32 $0xD900;
	s15 =	simm.s32 $0x1  }
0x9: {  	s16 =	simm.s32 $0xE700;
	s1 =	sand.u32 $0x1, s1;
	s3 =	sshll.u32 s2, $0x1  }
0xa: {  	s17 =	simm.s32 $0x0;
	s2 =	simm.s32 $0x0;
	s3 =	sor.u32 s1, s3  }
0xb: {  	[smem:$0x7FF] =	sst s2;
	s1 =	ssub.s32 $0x2, s1;
	s4 =	smul.u32 $0xE0, s3  }
0xc: {  	_ =	strace $0x8000004A;
	s6 =	smul.u32 $0x1C00, s3;
	s26 =	sshrl.u32 s1, $0x1  }
0xd: {  	s3 =	sadd.s32 $0x6800, s0;
	s1 =	ssub.s32 s1, s26;
	s26 =	simm.s32 $0x8500  }
0xe: {  	s0 =	sadd.s32 s4, s0;
	s5 =	sadd.s32 s5, s6;
	s6 =	smax.u32 s1, $0x1  }
0xf: {  	s1 =	simm.s32 $0x540;
	s4 =	sadd.s32 $0x4C00, s0;
	s0 =	simm.s32 $0xAF00  }
.LBB2_1:
0x10: {  	[tilespmem:s2], [sflag:$0x2] =	stream.linear.gather [hbm4b:s4+s2], $0x700, $0x38;
	[tilespmem:$0x1C700] =	vst v63  }
0x11: {  	_ =	swait.ge [sflag:s7], $0x700  }
0x12: {  	[sflag:s7] =	ssyncset.done $0x0  }
0x13: {  	s18 =	simm.s32 $0x700;
	[sflag:s7] =	ssyncadd.s32 $0xFFFFF900  }
0x14: {  	[tilespmem:s18], [sflag:$0x1] =	stream.indirect.gather [hbm4b:s3+s8], $0x20, s2, s8, $0xb8;
	[tilespmem:$0x1C700] =	vst v63  }
0x15: {  	s19 =	simm.s32 $0x1500  }
0x16: {  	[tilespmem:s19], [sflag:$0x1] =	stream.indirect.gather [hbm4b:s3+s8], $0x20, s8, s8, $0xb8;
	[tilespmem:$0x1C700] =	vst v63  }
0x17: {  	s20 =	simm.s32 $0xE0;
	s19 =	simm.s32 $0x2300  }
0x18: {  	[tilespmem:s19], [sflag:$0x1] =	stream.indirect.gather [hbm4b:s3+s8], $0x20, s20, s8, $0xb8;
	[tilespmem:$0x1C700] =	vst v63  }
0x19: {  	s19 =	simm.s32 $0x150;
	s20 =	simm.s32 $0x3100  }
0x1a: {  	[tilespmem:s20], [sflag:$0x1] =	stream.indirect.gather [hbm4b:s3+s8], $0x20, s19, s8, $0xb8;
	[tilespmem:$0x1C700] =	vst v63  }
0x1b: {  	s19 =	simm.s32 $0x1C0;
	s20 =	simm.s32 $0x3F00  }
0x1c: {  	[tilespmem:s20], [sflag:$0x1] =	stream.indirect.gather [hbm4b:s3+s8], $0x20, s19, s8, $0xb8;
	[tilespmem:$0x1C700] =	vst v63  }
0x1d: {  	s19 =	simm.s32 $0x230;
	s20 =	simm.s32 $0x4D00  }
0x1e: {  	[tilespmem:s20], [sflag:$0x1] =	stream.indirect.gather [hbm4b:s3+s8], $0x20, s19, s8, $0xb8;
	[tilespmem:$0x1C700] =	vst v63  }
0x1f: {  	s19 =	simm.s32 $0x2A0;
	s20 =	simm.s32 $0x5B00  }
0x20: {  	[tilespmem:s20], [sflag:$0x1] =	stream.indirect.gather [hbm4b:s3+s8], $0x20, s19, s8, $0xb8;
	[tilespmem:$0x1C700] =	vst v63  }
0x21: {  	_ = 	snop  }
0x22: {  	[tilespmem:s22], [sflag:$0x1] =	stream.indirect.gather [hbm4b:s3+s8], $0x20, s21, s8, $0xb8;
	[tilespmem:$0x1C700] =	vst v63  }
0x23: {  	_ = 	snop  }
0x24: {  	[tilespmem:s24], [sflag:$0x1] =	stream.indirect.gather [hbm4b:s3+s8], $0x20, s23, s8, $0xb8;
	[tilespmem:$0x1C700] =	vst v63  }
0x25: {  	_ = 	snop  }
0x26: {  	[tilespmem:s26], [sflag:$0x1] =	stream.indirect.gather [hbm4b:s3+s8], $0x20, s25, s8, $0xb8;
	[tilespmem:$0x1C700] =	vst v63  }
0x27: {  	_ = 	snop  }
0x28: {  	[tilespmem:s29], [sflag:$0x1] =	stream.indirect.gather [hbm4b:s3+s8], $0x20, s28, s8, $0xb8;
	[tilespmem:$0x1C700] =	vst v63  }
0x29: {  	_ = 	snop  }
0x2a: {  	[tilespmem:s31], [sflag:$0x1] =	stream.indirect.gather [hbm4b:s3+s8], $0x20, s30, s8, $0xb8;
	[tilespmem:$0x1C700] =	vst v63  }
0x2b: {  	_ = 	snop  }
0x2c: {  	[tilespmem:s0], [sflag:$0x1] =	stream.indirect.gather [hbm4b:s3+s8], $0x20, s1, s8, $0xb8;
	[tilespmem:$0x1C700] =	vst v63  }
0x2d: {  	_ = 	snop  }
0x2e: {  	[tilespmem:s10], [sflag:$0x1] =	stream.indirect.gather [hbm4b:s3+s8], $0x20, s9, s8, $0xb8;
	[tilespmem:$0x1C700] =	vst v63  }
0x2f: {  	_ = 	snop  }
0x30: {  	[tilespmem:s12], [sflag:$0x1] =	stream.indirect.gather [hbm4b:s3+s8], $0x20, s11, s8, $0xb8;
	[tilespmem:$0x1C700] =	vst v63  }
0x31: {  	_ = 	snop  }
0x32: {  	[tilespmem:s14], [sflag:$0x1] =	stream.indirect.gather [hbm4b:s3+s8], $0x20, s13, s8, $0xb8;
	[tilespmem:$0x1C700] =	vst v63  }
0x33: {  	_ =	swait.ge [sflag:s15], $0xE00  }
0x34: {  	[sflag:s15] =	ssyncset.done $0x0  }
0x35: {  	[sflag:s15] =	ssyncadd.s32 $0xFFFFF200  }
0x36: {  	_ =	swait.ge [sflag:s15], $0xE00  }
0x37: {  	[sflag:s15] =	ssyncset.done $0x0  }
0x38: {  	[sflag:s15] =	ssyncadd.s32 $0xFFFFF200  }
0x39: {  	_ =	swait.ge [sflag:s15], $0xE00  }
0x3a: {  	[sflag:s15] =	ssyncset.done $0x0  }
0x3b: {  	[sflag:s15] =	ssyncadd.s32 $0xFFFFF200  }
0x3c: {  	_ =	swait.ge [sflag:s15], $0xE00  }
0x3d: {  	[sflag:s15] =	ssyncset.done $0x0  }
0x3e: {  	[sflag:s15] =	ssyncadd.s32 $0xFFFFF200  }
0x3f: {  	_ =	swait.ge [sflag:s15], $0xE00  }
0x40: {  	[sflag:s15] =	ssyncset.done $0x0  }
0x41: {  	[sflag:s15] =	ssyncadd.s32 $0xFFFFF200  }
0x42: {  	_ =	swait.ge [sflag:s15], $0xE00  }
0x43: {  	[sflag:s15] =	ssyncset.done $0x0  }
0x44: {  	[sflag:s15] =	ssyncadd.s32 $0xFFFFF200  }
0x45: {  	_ =	swait.ge [sflag:s15], $0xE00  }
0x46: {  	[sflag:s15] =	ssyncset.done $0x0  }
0x47: {  	[sflag:s15] =	ssyncadd.s32 $0xFFFFF200  }
0x48: {  	_ =	swait.ge [sflag:s15], $0xE00  }
0x49: {  	[sflag:s15] =	ssyncset.done $0x0  }
0x4a: {  	[sflag:s15] =	ssyncadd.s32 $0xFFFFF200  }
0x4b: {  	_ =	swait.ge [sflag:s15], $0xE00  }
0x4c: {  	[sflag:s15] =	ssyncset.done $0x0  }
0x4d: {  	[sflag:s15] =	ssyncadd.s32 $0xFFFFF200  }
0x4e: {  	_ =	swait.ge [sflag:s15], $0xE00  }
0x4f: {  	[sflag:s15] =	ssyncset.done $0x0  }
0x50: {  	[sflag:s15] =	ssyncadd.s32 $0xFFFFF200  }
0x51: {  	_ =	swait.ge [sflag:s15], $0xE00  }
0x52: {  	[sflag:s15] =	ssyncset.done $0x0  }
0x53: {  	[sflag:s15] =	ssyncadd.s32 $0xFFFFF200  }
0x54: {  	_ =	swait.ge [sflag:s15], $0xE00  }
0x55: {  	[sflag:s15] =	ssyncset.done $0x0  }
0x56: {  	[sflag:s15] =	ssyncadd.s32 $0xFFFFF200  }
0x57: {  	_ =	swait.ge [sflag:s15], $0xE00  }
0x58: {  	[sflag:s15] =	ssyncset.done $0x0  }
0x59: {  	[sflag:s15] =	ssyncadd.s32 $0xFFFFF200  }
0x5a: {  	_ =	swait.ge [sflag:s15], $0xE00  }
0x5b: {  	[sflag:s15] =	ssyncset.done $0x0  }
0x5c: {  	[sflag:s15] =	ssyncadd.s32 $0xFFFFF200  }
0x5d: {  	_ =	swait.ge [sflag:s15], $0xE00  }
0x5e: {  	[sflag:s15] =	ssyncset.done $0x0  }
0x5f: {  	[sflag:s15] =	ssyncadd.s32 $0xFFFFF200  }
0x60: {  	_ =	swait.ge [sflag:s15], $0xE00  }
0x61: {  	[sflag:s15] =	ssyncset.done $0x0  }
0x62: {  	s18 =	simm.s32 $0x0;
	[sflag:s15] =	ssyncadd.s32 $0xFFFFF200  }
0x63: {  	v3 =	vld [tilespmem:s18+$0x770]  }
0x64: {  	v4 =	vld [tilespmem:s18+$0x700]  }
0x65: {  	v5 =	vld [tilespmem:s18+$0x710]  }
0x66: {  	v2 =	vld [tilespmem:s18+$0x720]  }
0x67: {  	v0 =	vld [tilespmem:s18+$0x730]  }
0x68: {  	v1 =	vld [tilespmem:s18+$0x740];
	[tilespmem:s18+$0xE770] =	vst v3  }
0x69: {  	[tilespmem:s18+$0xE700] =	vst v4;
	v3 =	vld [tilespmem:s18+$0x750]  }
0x6a: {  	s19 =	simm.s32 $0x80;
	s20 =	simm.s32 $0x400;
	[tilespmem:s18+$0xE710] =	vst v5;
	v4 =	vld [tilespmem:s18+$0x760]  }
.LBB2_2:
0x6b: {  	p0 =	sne.s32 s20, $0x37E00;
	v5 =	vld [tilespmem:s19+$0x770];
	[tilespmem:s18+$0xE720] =	vst v2  }
0x6c: {  	v6 =	vld [tilespmem:s19+$0x700];
	[tilespmem:s18+$0xE730] =	vst v0  }
0x6d: {  	v7 =	vld [tilespmem:s19+$0x710];
	[tilespmem:s18+$0xE740] =	vst v1  }
.Ltmp0:
0x6e: {  	v2 =	vld [tilespmem:s19+$0x720];
	[tilespmem:s18+$0xE750] =	vst v3;
	(pc) =	sbr.rel @p0 .LBB2_2-.Ltmp0, $4  }
0x6f: {  	v0 =	vld [tilespmem:s19+$0x730];
	[tilespmem:s18+$0xE760] =	vst v4;
	s18 =	smov.u32 s19  }
0x70: {  	v1 =	vld [tilespmem:s18+$0x740];
	[tilespmem:s18+$0xE770] =	vst v5  }
0x71: {  	[tilespmem:s18+$0xE700] =	vst v6;
	v3 =	vld [tilespmem:s18+$0x750]  }
0x72: {  	s19 =	sshra.s32 s20, $0x2;
	s20 =	sadd.s32 $0x200, s20;
	[tilespmem:s18+$0xE710] =	vst v7;
	v4 =	vld [tilespmem:s18+$0x760]  }
0x73: {  	v5 =	vld [tilespmem:s19+$0x770];
	[tilespmem:s18+$0xE720] =	vst v2  }
0x74: {  	v2 =	vld [tilespmem:s19+$0x700];
	[tilespmem:s18+$0xE730] =	vst v0  }
0x75: {  	v0 =	vld [tilespmem:s19+$0x710];
	[tilespmem:s18+$0xE740] =	vst v1  }
0x76: {  	v1 =	vld [tilespmem:s19+$0x720];
	[tilespmem:s18+$0xE750] =	vst v3  }
0x77: {  	v3 =	vld [tilespmem:s19+$0x730];
	[tilespmem:s18+$0xE760] =	vst v4  }
0x78: {  	v4 =	vld [tilespmem:s19+$0x740];
	[tilespmem:s19+$0xE770] =	vst v5  }
0x79: {  	v62 =	vld [tilespmem:s19+$0x750];
	[tilespmem:s19+$0xE700] =	vst v2  }
0x7a: {  	v63 =	vld [tilespmem:s19+$0x760];
	[tilespmem:s19+$0xE710] =	vst v0  }
0x7b: {  	[tilespmem:s19+$0xE720] =	vst v1  }
0x7c: {  	[tilespmem:s19+$0xE730] =	vst v3  }
0x7d: {  	s17 =	sadd.s32 $0x1, s17;
	[tilespmem:s19+$0xE740] =	vst v4  }
0x7e: {  	p0 =	sne.s32 s17, s6;
	[tilespmem:s19+$0xE750] =	vst v62  }
.Ltmp1:
0x7f: {  	[tilespmem:s19+$0xE760] =	vst v63;
	(pc) =	sbr.rel @p0 .LBB2_1-.Ltmp1, $4  }
0x80: {  	[hbm4b:s5+s2] =	stream.linear.scatter [tilespmem:s16], [sflag:$0x2], $0xE000, $0x38;
	[tilespmem:$0x1C700] =	vst v63  }
0x81: {  	_ =	swait.ge [sflag:s7], $0xE000  }
0x82: {  	[sflag:s7] =	ssyncset.done $0x0  }
0x83: {  	[sflag:s7] =	ssyncadd.s32 $0xFFFF2000  }
0x84: {  	_ =	sfence.sel $0x180000  }
0x85: {  	[bflag:$0x0] =	sbarrier.arrive $0xFFFF  }
0x86: {  	_ =	strace $0x9000004A  }
0x87: {  	s0 =	stileid.u32;
	[bflag:$0x2] =	sbarrier.arrive $0xFFFF  }
0x88: {  	p0 =	sne.s32 s0, $0x0;
	s0 =	rddreg [dreg:$0x2]  }
0x89: {  	s0 =	sadd.s32 @!p0 $0x100000, s0  }
0x8a: {  	[sflag:s0] =	ssyncadd.tile.s32 @!p0 $0x1;
	_ =	shalt  }
.Lfunc_end2:
_tile_overlayer_lowered:
.L_overlay_start_2:
0x8b: {  	(tag) =	ssettag $0x2  }
0x8c: {  	s0 =	rddreg [dreg:$0x0];
	s2 =	stileid.u32  }
0x8d: {  	s1 =	rddreg [dreg:$0x1];
	p0 =	sne.s32 s2, $0x0  }
0x8e: {  	s3 =	rddreg [dreg:$0x2];
	[bflag:$0x3] =	sbarrier.arrive $0xFFFF;
	s2 =	simm.s32 @!p0 $0x1C02  }
0x8f: {  	[timem:s3], [sflag:s2] =	dma.local @!p0 [hbm:s0], s1  }
0x90: {  	s0 =	simm.s32 @!p0 $0x2  }
0x91: {  	_ =	swait.ge @!p0 [sflag:s0], s1  }
0x92: {  	s1 =	ssub.s32 @!p0 $0x0, s1;
	[sflag:s0] =	ssyncset.done @!p0 $0x0  }
0x93: {  	[sflag:s0] =	ssyncadd.s32 @!p0 s1  }
0x94: {  	[bflag:$0x3] =	sbarrier.arrive $0xFFFF  }
0x95: {  	_ =	shalt  }

</sc_bundles>
